<compile_context>
chip_gen: v7x
topology: tpu7x:2x2x1
jax: 0.10.2.dev20260603
libtpu: 0.0.44.dev20260713+nightly
codegen_flags: <defaults>
</compile_context>

<pallas_src>
import functools

import jax
import jax.numpy as jnp
from jax import lax
from jax.experimental import pallas as pl
from jax.experimental.pallas import tpu as pltpu
from jax.experimental.pallas import tpu_sc as plsc

N_NODES = 100000
D = 128
NUM_GRAPHS = 512

NC = 2
NS = 16
NW = NC * NS

CHUNK = 80
NFULL = N_NODES // CHUNK
TAIL = N_NODES - NFULL * CHUNK
ROWS = 640
RPT = ROWS // NS
NBUF = 4

GH = 32
GL = 16
CNT_BLK = 12800
N_PAD = 102400


def _sc_segment_sum(x3d, batch2d, xt, bt, zsum):
    mesh = plsc.VectorSubcoreMesh(core_axis_name="c", subcore_axis_name="s")

    @functools.partial(
        pl.kernel,
        out_type=jax.ShapeDtypeStruct((NC, ROWS, D), jnp.float32),
        mesh=mesh,
        scratch_types=(
            [pltpu.VMEM((CHUNK,), jnp.int32)] * NBUF
            + [pltpu.VMEM((CHUNK, D), jnp.float32)] * NBUF
            + [pltpu.VMEM_SHARED((ROWS, D), jnp.float32)]
            + [pltpu.SemaphoreType.DMA] * NBUF
        ),
    )
    def seg_sum(x_hbm, b_hbm, xt_hbm, bt_hbm, zsum_hbm, sums_out, *scr):
        cid = lax.axis_index("c")
        sid = lax.axis_index("s")
        wid = sid * NC + cid
        idx_bufs = scr[:NBUF]
        row_bufs = scr[NBUF:2 * NBUF]
        ssum = scr[2 * NBUF]
        sems = scr[2 * NBUF + 1:]

        pltpu.sync_copy(zsum_hbm.at[pl.ds(RPT * sid, RPT)],
                        ssum.at[pl.ds(RPT * sid, RPT)])
        plsc.subcore_barrier()

        nc_mine = jnp.where(wid < NFULL % NW, NFULL // NW + 1, NFULL // NW)

        def do_slot(j, b):
            c = wid + NW * j
            pltpu.make_async_copy(b_hbm.at[c], idx_bufs[b], sems[b]).wait()
            pltpu.make_async_copy(x_hbm.at[c], row_bufs[b], sems[b]).wait()
            pltpu.sync_copy(row_bufs[b], ssum.at[idx_bufs[b]], add=True)

            @pl.when(j + NBUF < nc_mine)
            def _():
                c2 = wid + NW * (j + NBUF)
                pltpu.async_copy(b_hbm.at[c2], idx_bufs[b], sems[b])
                pltpu.async_copy(x_hbm.at[c2], row_bufs[b], sems[b])

        for b in range(NBUF):
            pltpu.async_copy(b_hbm.at[wid + NW * b], idx_bufs[b], sems[b])
            pltpu.async_copy(x_hbm.at[wid + NW * b], row_bufs[b], sems[b])

        def body(g, carry):
            for b in range(NBUF):
                j = NBUF * g + b

                @pl.when(j < nc_mine)
                def _():
                    do_slot(j, b)

            return carry

        lax.fori_loop(0, (NFULL // NW + NBUF) // NBUF, body, 0)

        if TAIL:
            @pl.when(wid == NW - 1)
            def _():
                pltpu.sync_copy(bt_hbm, idx_bufs[0].at[pl.ds(0, TAIL)])
                pltpu.sync_copy(xt_hbm, row_bufs[0].at[pl.ds(0, TAIL)])
                pltpu.sync_copy(row_bufs[0].at[pl.ds(0, TAIL)],
                                ssum.at[idx_bufs[0].at[pl.ds(0, TAIL)]], add=True)

        plsc.subcore_barrier()

        pltpu.sync_copy(ssum.at[pl.ds(RPT * sid, RPT)],
                        sums_out.at[cid, pl.ds(RPT * sid, RPT)])

    return seg_sum(x3d, batch2d, xt, bt, zsum)


def _counts_body(b_ref, out_ref):
    i = pl.program_id(0)

    @pl.when(i == 0)
    def _():
        out_ref[:] = jnp.zeros_like(out_ref)

    b = b_ref[:]
    hi = b >> 4
    lo = b & 15
    ih = lax.broadcasted_iota(jnp.int32, (GH, 1), 0)
    il = lax.broadcasted_iota(jnp.int32, (GL, 1), 0)
    oh_hi = (hi == ih).astype(jnp.bfloat16)
    oh_lo = (lo == il).astype(jnp.bfloat16)
    out_ref[:] += lax.dot_general(
        oh_hi, oh_lo, (((1,), (1,)), ((), ())),
        preferred_element_type=jnp.float32)


def _tc_counts(brow):
    return pl.pallas_call(
        _counts_body,
        grid=(N_PAD // CNT_BLK,),
        in_specs=[pl.BlockSpec((1, CNT_BLK), lambda i: (0, i))],
        out_specs=pl.BlockSpec((GH, GL), lambda i: (0, 0)),
        out_shape=jax.ShapeDtypeStruct((GH, GL), jnp.float32),
    )(brow)


def _mlp_body(sums_ref, cnt_ref, w1_ref, b1_ref, a_ref, w2_ref, b2_ref, out_ref):
    s = sums_ref[0] + sums_ref[1]
    emb = s[:NUM_GRAPHS] / jnp.clip(cnt_ref[:], 1.0, None)
    h = jnp.dot(emb, w1_ref[:], preferred_element_type=jnp.float32) + b1_ref[:]
    a = a_ref[0, 0]
    h = jnp.where(h >= 0, h, a * h)
    out_ref[:] = (
        jnp.dot(h, w2_ref[:], preferred_element_type=jnp.float32) + b2_ref[:]
    )


def kernel(x, batch, W1, b1, prelu_a, W2, b2):
    batch32 = batch.astype(jnp.int32)
    nfull = NFULL * CHUNK
    x3d = x[:nfull].reshape(NFULL, CHUNK, D)
    batch2d = batch32[:nfull].reshape(NFULL, CHUNK)
    xt = x[nfull:] if TAIL else x[:8]
    bt = batch32[nfull:] if TAIL else batch32[:8]
    zsum = jnp.zeros((ROWS, D), jnp.float32)
    brow = jnp.concatenate(
        [batch32, jnp.full((N_PAD - N_NODES,), 1 << 20, jnp.int32)]
    ).reshape(1, N_PAD)

    cnts = _tc_counts(brow)
    sums = _sc_segment_sum(x3d, batch2d, xt, bt, zsum)

    return pl.pallas_call(
        _mlp_body,
        out_shape=jax.ShapeDtypeStruct((NUM_GRAPHS, D), jnp.float32),
    )(sums, cnts.reshape(NUM_GRAPHS, 1), W1, b1.reshape(1, D),
      prelu_a.reshape(1, 1), W2, b2.reshape(1, D))

# --- scband reference (transcript-rebuilt; emitter-appended) ---
"""Pipeline reference for scband-graph-head-68427418960102 (READ-ONLY COPY).

The authoritative reference and input builder live on the scoring server;
editing this copy changes nothing except your own understanding.
"""

import jax, jax.numpy as jnp
import numpy as np

N_NODES = 100000
D = 128
NUM_GRAPHS = 512


def _prelu(x, a):
    return jnp.where(x >= 0, x, a * x)


def setup_inputs(seed: int = 0) -> dict:
    key = jax.random.key(seed)
    k_x, k_seg, k_w1, k_b1, k_w2, k_b2 = jax.random.split(key, 6)
    x = jax.random.normal(k_x, (N_NODES, D), dtype=jnp.float32)
    batch = jnp.sort(jax.random.randint(k_seg, (N_NODES,), 0, NUM_GRAPHS, dtype=jnp.int64))
    # MLP params: Linear(dim_in=128, dim_inner=128) + PReLU, then Linear(dim_inner=128, dim_out=128)
    s1 = 1.0 / np.sqrt(D)
    W1 = jax.random.uniform(k_w1, (D, D), minval=-s1, maxval=s1, dtype=jnp.float32)
    b1 = jax.random.uniform(k_b1, (D,), minval=-s1, maxval=s1, dtype=jnp.float32)
    s2 = 1.0 / np.sqrt(D)
    W2 = jax.random.uniform(k_w2, (D, D), minval=-s2, maxval=s2, dtype=jnp.float32)
    b2 = jax.random.uniform(k_b2, (D,), minval=-s2, maxval=s2, dtype=jnp.float32)
    prelu_a = jnp.asarray(0.25, dtype=jnp.float32)
    return {"x": x, "batch": batch, "W1": W1, "b1": b1, "prelu_a": prelu_a, "W2": W2, "b2": b2}


def reference(x, batch, W1, b1, prelu_a, W2, b2):
    # global_mean_pool: segment mean over graphs
    sums = jax.ops.segment_sum(x, batch, num_segments=NUM_GRAPHS)
    counts = jax.ops.segment_sum(jnp.ones((x.shape[0],), dtype=x.dtype), batch, num_segments=NUM_GRAPHS)
    graph_emb = sums / jnp.clip(counts, 1.0, None)[:, None]
    # post-MP MLP: Linear -> PReLU -> Linear
    h = graph_emb @ W1 + b1
    h = _prelu(h, prelu_a)
    out = h @ W2 + b2
    return out

if __name__ == "__main__":
    import jax
    _d = setup_inputs()
    print(jax.jit(kernel)(*tuple(_d.values())))

</pallas_src>

<mosaic_0001>
#map = affine_map<(d0, d1) -> (0, 0, 0)>
#map1 = affine_map<(d0, d1) -> (0, 0)>
#map2 = affine_map<(d0, d1) -> (0)>
module attributes {stable_mosaic.version = 14 : i64} {
  func.func @seg_sum(%arg0: i32, %arg1: i32, %arg2: memref<1250x80x128xf32, #tpu.memory_space<hbm>>, %arg3: memref<1250x80xi32, #tpu.memory_space<hbm>>, %arg4: memref<8x128xf32, #tpu.memory_space<hbm>>, %arg5: memref<8xi32, #tpu.memory_space<hbm>>, %arg6: memref<640x128xf32, #tpu.memory_space<hbm>>, %arg7: memref<2x640x128xf32, #tpu.memory_space<hbm>>, %arg8: memref<80xi32, #tpu.memory_space<vmem>>, %arg9: memref<80xi32, #tpu.memory_space<vmem>>, %arg10: memref<80xi32, #tpu.memory_space<vmem>>, %arg11: memref<80xi32, #tpu.memory_space<vmem>>, %arg12: memref<80x128xf32, #tpu.memory_space<vmem>>, %arg13: memref<80x128xf32, #tpu.memory_space<vmem>>, %arg14: memref<80x128xf32, #tpu.memory_space<vmem>>, %arg15: memref<80x128xf32, #tpu.memory_space<vmem>>, %arg16: memref<640x128xf32, #tpu.memory_space<vmem_shared>>, %arg17: memref<!tpu.dma_semaphore, #tpu.memory_space<semaphore_mem>>, %arg18: memref<!tpu.dma_semaphore, #tpu.memory_space<semaphore_mem>>, %arg19: memref<!tpu.dma_semaphore, #tpu.memory_space<semaphore_mem>>, %arg20: memref<!tpu.dma_semaphore, #tpu.memory_space<semaphore_mem>>) attributes {dimension_semantics = [#tpu.dimension_semantics<core_parallel>, #tpu.dimension_semantics<subcore_parallel>], iteration_bounds = array<i64: 2, 16>, scalar_prefetch = 0 : i64, scratch_operands = 13 : i64, tpu.core_type = #tpu.core_type<sc_vector_subcore>, window_params = [{transform_indices = #map}, {transform_indices = #map1}, {transform_indices = #map1}, {transform_indices = #map2}, {transform_indices = #map1}, {transform_indices = #map}]} {
    %mul3A = arith.constant 2 : i32
    %mul3A_0 = arith.muli %arg1, %mul3A : i32
    %add3A = arith.addi %mul3A_0, %arg0 : i32
    %mul3A_1 = arith.constant 40 : i32
    %mul3A_2 = arith.muli %mul3A_1, %arg1 : i32
    %mul3A_3 = arith.constant 40 : i32
    %mul3A_4 = arith.muli %mul3A_3, %arg1 : i32
    "tpu.region"() ({
      %run_scoped3A = tpu.sem_alloc : memref<!tpu.dma_semaphore, #tpu.memory_space<semaphore_mem>>
      %dma_start3A_88 = arith.constant 0 : i32
      %dma_start3A_89 = tpu.memref_slice %arg16[%mul3A_4, %dma_start3A_88] : memref<640x128xf32, #tpu.memory_space<vmem_shared>> -> memref<40x128xf32, #tpu.memory_space<vmem_shared>>
      %dma_start3A_90 = arith.constant 0 : i32
      %dma_start3A_91 = tpu.memref_slice %arg6[%mul3A_2, %dma_start3A_90] : memref<640x128xf32, #tpu.memory_space<hbm>> -> memref<40x128xf32, #tpu.memory_space<hbm>>
      tpu.enqueue_dma source(%dma_start3A_91 : memref<40x128xf32, #tpu.memory_space<hbm>>) target(%dma_start3A_89 : memref<40x128xf32, #tpu.memory_space<vmem_shared>>) target_semaphore(%run_scoped3A : memref<!tpu.dma_semaphore, #tpu.memory_space<semaphore_mem>>)
      %dma_wait3A = arith.constant 0 : i32
      %dma_wait3A_92 = tpu.memref_slice %arg16[%mul3A_4, %dma_wait3A] : memref<640x128xf32, #tpu.memory_space<vmem_shared>> -> memref<40x128xf32, #tpu.memory_space<vmem_shared>>
      %dma_wait3A_93 = arith.constant 0 : i32
      %dma_wait3A_94 = tpu.memref_slice %arg6[%mul3A_2, %dma_wait3A_93] : memref<640x128xf32, #tpu.memory_space<hbm>> -> memref<40x128xf32, #tpu.memory_space<hbm>>
      tpu.wait_dma2 semaphore(%run_scoped3A : memref<!tpu.dma_semaphore, #tpu.memory_space<semaphore_mem>>) src(%dma_wait3A_94 : memref<40x128xf32, #tpu.memory_space<hbm>>) dst(%dma_wait3A_92 : memref<40x128xf32, #tpu.memory_space<vmem_shared>>)
      tpu.yield
    }) : () -> ()
    %barrier3A = arith.constant 0 : index
    tpu.barrier barrier_id(%barrier3A)
    %lt3A = arith.constant 2 : i32
    %lt3A_5 = arith.cmpi slt, %add3A, %lt3A : i32
    %jit3A = arith.constant 40 : i32
    %jit3A_6 = arith.constant 39 : i32
    %select_n3A = arith.select %lt3A_5, %jit3A, %jit3A_6 : i32
    %add3A_7 = arith.constant 0 : i32
    %add3A_8 = arith.addi %add3A, %add3A_7 : i32
    %dma_start3A = arith.constant 0 : i32
    %dma_start3A_9 = tpu.memref_slice %arg3[%add3A_8, %dma_start3A] : memref<1250x80xi32, #tpu.memory_space<hbm>> -> memref<1x80xi32, #tpu.memory_space<hbm>>
    %dma_start3A_10 = tpu.memref_squeeze %dma_start3A_9 : memref<1x80xi32, #tpu.memory_space<hbm>> -> memref<80xi32, #tpu.memory_space<hbm>>
    %dma_start3A_11 = arith.constant 0 : i32
    %dma_start3A_12 = tpu.memref_slice %arg3[%add3A_8, %dma_start3A_11] : memref<1250x80xi32, #tpu.memory_space<hbm>> -> memref<1x80xi32, #tpu.memory_space<hbm>>
    %dma_start3A_13 = tpu.memref_squeeze %dma_start3A_12 : memref<1x80xi32, #tpu.memory_space<hbm>> -> memref<80xi32, #tpu.memory_space<hbm>>
    tpu.enqueue_dma source(%dma_start3A_13 : memref<80xi32, #tpu.memory_space<hbm>>) target(%arg8 : memref<80xi32, #tpu.memory_space<vmem>>) target_semaphore(%arg17 : memref<!tpu.dma_semaphore, #tpu.memory_space<semaphore_mem>>)
    %add3A_14 = arith.constant 0 : i32
    %add3A_15 = arith.addi %add3A, %add3A_14 : i32
    %dma_start3A_16 = arith.constant 0 : i32
    %dma_start3A_17 = arith.constant 0 : i32
    %dma_start3A_18 = tpu.memref_slice %arg2[%add3A_15, %dma_start3A_16, %dma_start3A_17] : memref<1250x80x128xf32, #tpu.memory_space<hbm>> -> memref<1x80x128xf32, #tpu.memory_space<hbm>>
    %dma_start3A_19 = tpu.memref_squeeze %dma_start3A_18 : memref<1x80x128xf32, #tpu.memory_space<hbm>> -> memref<80x128xf32, #tpu.memory_space<hbm>>
    %dma_start3A_20 = arith.constant 0 : i32
    %dma_start3A_21 = arith.constant 0 : i32
    %dma_start3A_22 = tpu.memref_slice %arg2[%add3A_15, %dma_start3A_20, %dma_start3A_21] : memref<1250x80x128xf32, #tpu.memory_space<hbm>> -> memref<1x80x128xf32, #tpu.memory_space<hbm>>
    %dma_start3A_23 = tpu.memref_squeeze %dma_start3A_22 : memref<1x80x128xf32, #tpu.memory_space<hbm>> -> memref<80x128xf32, #tpu.memory_space<hbm>>
    tpu.enqueue_dma source(%dma_start3A_23 : memref<80x128xf32, #tpu.memory_space<hbm>>) target(%arg12 : memref<80x128xf32, #tpu.memory_space<vmem>>) target_semaphore(%arg17 : memref<!tpu.dma_semaphore, #tpu.memory_space<semaphore_mem>>)
    %add3A_24 = arith.constant 32 : i32
    %add3A_25 = arith.addi %add3A, %add3A_24 : i32
    %dma_start3A_26 = arith.constant 0 : i32
    %dma_start3A_27 = tpu.memref_slice %arg3[%add3A_25, %dma_start3A_26] : memref<1250x80xi32, #tpu.memory_space<hbm>> -> memref<1x80xi32, #tpu.memory_space<hbm>>
    %dma_start3A_28 = tpu.memref_squeeze %dma_start3A_27 : memref<1x80xi32, #tpu.memory_space<hbm>> -> memref<80xi32, #tpu.memory_space<hbm>>
    %dma_start3A_29 = arith.constant 0 : i32
    %dma_start3A_30 = tpu.memref_slice %arg3[%add3A_25, %dma_start3A_29] : memref<1250x80xi32, #tpu.memory_space<hbm>> -> memref<1x80xi32, #tpu.memory_space<hbm>>
    %dma_start3A_31 = tpu.memref_squeeze %dma_start3A_30 : memref<1x80xi32, #tpu.memory_space<hbm>> -> memref<80xi32, #tpu.memory_space<hbm>>
    tpu.enqueue_dma source(%dma_start3A_31 : memref<80xi32, #tpu.memory_space<hbm>>) target(%arg9 : memref<80xi32, #tpu.memory_space<vmem>>) target_semaphore(%arg18 : memref<!tpu.dma_semaphore, #tpu.memory_space<semaphore_mem>>)
    %add3A_32 = arith.constant 32 : i32
    %add3A_33 = arith.addi %add3A, %add3A_32 : i32
    %dma_start3A_34 = arith.constant 0 : i32
    %dma_start3A_35 = arith.constant 0 : i32
    %dma_start3A_36 = tpu.memref_slice %arg2[%add3A_33, %dma_start3A_34, %dma_start3A_35] : memref<1250x80x128xf32, #tpu.memory_space<hbm>> -> memref<1x80x128xf32, #tpu.memory_space<hbm>>
    %dma_start3A_37 = tpu.memref_squeeze %dma_start3A_36 : memref<1x80x128xf32, #tpu.memory_space<hbm>> -> memref<80x128xf32, #tpu.memory_space<hbm>>
    %dma_start3A_38 = arith.constant 0 : i32
    %dma_start3A_39 = arith.constant 0 : i32
    %dma_start3A_40 = tpu.memref_slice %arg2[%add3A_33, %dma_start3A_38, %dma_start3A_39] : memref<1250x80x128xf32, #tpu.memory_space<hbm>> -> memref<1x80x128xf32, #tpu.memory_space<hbm>>
    %dma_start3A_41 = tpu.memref_squeeze %dma_start3A_40 : memref<1x80x128xf32, #tpu.memory_space<hbm>> -> memref<80x128xf32, #tpu.memory_space<hbm>>
    tpu.enqueue_dma source(%dma_start3A_41 : memref<80x128xf32, #tpu.memory_space<hbm>>) target(%arg13 : memref<80x128xf32, #tpu.memory_space<vmem>>) target_semaphore(%arg18 : memref<!tpu.dma_semaphore, #tpu.memory_space<semaphore_mem>>)
    %add3A_42 = arith.constant 64 : i32
    %add3A_43 = arith.addi %add3A, %add3A_42 : i32
    %dma_start3A_44 = arith.constant 0 : i32
    %dma_start3A_45 = tpu.memref_slice %arg3[%add3A_43, %dma_start3A_44] : memref<1250x80xi32, #tpu.memory_space<hbm>> -> memref<1x80xi32, #tpu.memory_space<hbm>>
    %dma_start3A_46 = tpu.memref_squeeze %dma_start3A_45 : memref<1x80xi32, #tpu.memory_space<hbm>> -> memref<80xi32, #tpu.memory_space<hbm>>
    %dma_start3A_47 = arith.constant 0 : i32
    %dma_start3A_48 = tpu.memref_slice %arg3[%add3A_43, %dma_start3A_47] : memref<1250x80xi32, #tpu.memory_space<hbm>> -> memref<1x80xi32, #tpu.memory_space<hbm>>
    %dma_start3A_49 = tpu.memref_squeeze %dma_start3A_48 : memref<1x80xi32, #tpu.memory_space<hbm>> -> memref<80xi32, #tpu.memory_space<hbm>>
    tpu.enqueue_dma source(%dma_start3A_49 : memref<80xi32, #tpu.memory_space<hbm>>) target(%arg10 : memref<80xi32, #tpu.memory_space<vmem>>) target_semaphore(%arg19 : memref<!tpu.dma_semaphore, #tpu.memory_space<semaphore_mem>>)
    %add3A_50 = arith.constant 64 : i32
    %add3A_51 = arith.addi %add3A, %add3A_50 : i32
    %dma_start3A_52 = arith.constant 0 : i32
    %dma_start3A_53 = arith.constant 0 : i32
    %dma_start3A_54 = tpu.memref_slice %arg2[%add3A_51, %dma_start3A_52, %dma_start3A_53] : memref<1250x80x128xf32, #tpu.memory_space<hbm>> -> memref<1x80x128xf32, #tpu.memory_space<hbm>>
    %dma_start3A_55 = tpu.memref_squeeze %dma_start3A_54 : memref<1x80x128xf32, #tpu.memory_space<hbm>> -> memref<80x128xf32, #tpu.memory_space<hbm>>
    %dma_start3A_56 = arith.constant 0 : i32
    %dma_start3A_57 = arith.constant 0 : i32
    %dma_start3A_58 = tpu.memref_slice %arg2[%add3A_51, %dma_start3A_56, %dma_start3A_57] : memref<1250x80x128xf32, #tpu.memory_space<hbm>> -> memref<1x80x128xf32, #tpu.memory_space<hbm>>
    %dma_start3A_59 = tpu.memref_squeeze %dma_start3A_58 : memref<1x80x128xf32, #tpu.memory_space<hbm>> -> memref<80x128xf32, #tpu.memory_space<hbm>>
    tpu.enqueue_dma source(%dma_start3A_59 : memref<80x128xf32, #tpu.memory_space<hbm>>) target(%arg14 : memref<80x128xf32, #tpu.memory_space<vmem>>) target_semaphore(%arg19 : memref<!tpu.dma_semaphore, #tpu.memory_space<semaphore_mem>>)
    %add3A_60 = arith.constant 96 : i32
    %add3A_61 = arith.addi %add3A, %add3A_60 : i32
    %dma_start3A_62 = arith.constant 0 : i32
    %dma_start3A_63 = tpu.memref_slice %arg3[%add3A_61, %dma_start3A_62] : memref<1250x80xi32, #tpu.memory_space<hbm>> -> memref<1x80xi32, #tpu.memory_space<hbm>>
    %dma_start3A_64 = tpu.memref_squeeze %dma_start3A_63 : memref<1x80xi32, #tpu.memory_space<hbm>> -> memref<80xi32, #tpu.memory_space<hbm>>
    %dma_start3A_65 = arith.constant 0 : i32
    %dma_start3A_66 = tpu.memref_slice %arg3[%add3A_61, %dma_start3A_65] : memref<1250x80xi32, #tpu.memory_space<hbm>> -> memref<1x80xi32, #tpu.memory_space<hbm>>
    %dma_start3A_67 = tpu.memref_squeeze %dma_start3A_66 : memref<1x80xi32, #tpu.memory_space<hbm>> -> memref<80xi32, #tpu.memory_space<hbm>>
    tpu.enqueue_dma source(%dma_start3A_67 : memref<80xi32, #tpu.memory_space<hbm>>) target(%arg11 : memref<80xi32, #tpu.memory_space<vmem>>) target_semaphore(%arg20 : memref<!tpu.dma_semaphore, #tpu.memory_space<semaphore_mem>>)
    %add3A_68 = arith.constant 96 : i32
    %add3A_69 = arith.addi %add3A, %add3A_68 : i32
    %dma_start3A_70 = arith.constant 0 : i32
    %dma_start3A_71 = arith.constant 0 : i32
    %dma_start3A_72 = tpu.memref_slice %arg2[%add3A_69, %dma_start3A_70, %dma_start3A_71] : memref<1250x80x128xf32, #tpu.memory_space<hbm>> -> memref<1x80x128xf32, #tpu.memory_space<hbm>>
    %dma_start3A_73 = tpu.memref_squeeze %dma_start3A_72 : memref<1x80x128xf32, #tpu.memory_space<hbm>> -> memref<80x128xf32, #tpu.memory_space<hbm>>
    %dma_start3A_74 = arith.constant 0 : i32
    %dma_start3A_75 = arith.constant 0 : i32
    %dma_start3A_76 = tpu.memref_slice %arg2[%add3A_69, %dma_start3A_74, %dma_start3A_75] : memref<1250x80x128xf32, #tpu.memory_space<hbm>> -> memref<1x80x128xf32, #tpu.memory_space<hbm>>
    %dma_start3A_77 = tpu.memref_squeeze %dma_start3A_76 : memref<1x80x128xf32, #tpu.memory_space<hbm>> -> memref<80x128xf32, #tpu.memory_space<hbm>>
    tpu.enqueue_dma source(%dma_start3A_77 : memref<80x128xf32, #tpu.memory_space<hbm>>) target(%arg15 : memref<80x128xf32, #tpu.memory_space<vmem>>) target_semaphore(%arg20 : memref<!tpu.dma_semaphore, #tpu.memory_space<semaphore_mem>>)
    %scan3A = arith.constant 0 : i32
    %scan3A_78 = arith.constant 0 : i32
    %scan3A_79 = arith.constant 10 : i32
    %scan3A_80 = arith.addi %scan3A_78, %scan3A_79 : i32
    %scan3A_81 = arith.constant 1 : i32
    scf.for %scan3A_88 = %scan3A_78 to %scan3A_80 step %scan3A_81  : i32 {
      %mul3A_89 = arith.constant 4 : i32
      %mul3A_90 = arith.muli %mul3A_89, %scan3A_88 : i32
      %add3A_91 = arith.constant 0 : i32
      %add3A_92 = arith.addi %mul3A_90, %add3A_91 : i32
      %lt3A_93 = arith.cmpi slt, %add3A_92, %select_n3A : i32
      %convert_element_type3A = arith.extui %lt3A_93 : i1 to i32
      %cond3A = arith.constant 0 : i32
      %cond3A_94 = arith.cmpi ne, %convert_element_type3A, %cond3A : i32
      scf.if %cond3A_94 {
        %mul3A_119 = arith.constant 32 : i32
        %mul3A_120 = arith.muli %mul3A_119, %add3A_92 : i32
        %add3A_121 = arith.addi %add3A, %mul3A_120 : i32
        %dma_wait3A = arith.constant 0 : i32
        %dma_wait3A_122 = tpu.memref_slice %arg3[%add3A_121, %dma_wait3A] : memref<1250x80xi32, #tpu.memory_space<hbm>> -> memref<1x80xi32, #tpu.memory_space<hbm>>
        %dma_wait3A_123 = tpu.memref_squeeze %dma_wait3A_122 : memref<1x80xi32, #tpu.memory_space<hbm>> -> memref<80xi32, #tpu.memory_space<hbm>>
        %dma_wait3A_124 = arith.constant 0 : i32
        %dma_wait3A_125 = tpu.memref_slice %arg3[%add3A_121, %dma_wait3A_124] : memref<1250x80xi32, #tpu.memory_space<hbm>> -> memref<1x80xi32, #tpu.memory_space<hbm>>
        %dma_wait3A_126 = tpu.memref_squeeze %dma_wait3A_125 : memref<1x80xi32, #tpu.memory_space<hbm>> -> memref<80xi32, #tpu.memory_space<hbm>>
        tpu.wait_dma2 semaphore(%arg17 : memref<!tpu.dma_semaphore, #tpu.memory_space<semaphore_mem>>) src(%dma_wait3A_126 : memref<80xi32, #tpu.memory_space<hbm>>) dst(%arg8 : memref<80xi32, #tpu.memory_space<vmem>>)
        %dma_wait3A_127 = arith.constant 0 : i32
        %dma_wait3A_128 = arith.constant 0 : i32
        %dma_wait3A_129 = tpu.memref_slice %arg2[%add3A_121, %dma_wait3A_127, %dma_wait3A_128] : memref<1250x80x128xf32, #tpu.memory_space<hbm>> -> memref<1x80x128xf32, #tpu.memory_space<hbm>>
        %dma_wait3A_130 = tpu.memref_squeeze %dma_wait3A_129 : memref<1x80x128xf32, #tpu.memory_space<hbm>> -> memref<80x128xf32, #tpu.memory_space<hbm>>
        %dma_wait3A_131 = arith.constant 0 : i32
        %dma_wait3A_132 = arith.constant 0 : i32
        %dma_wait3A_133 = tpu.memref_slice %arg2[%add3A_121, %dma_wait3A_131, %dma_wait3A_132] : memref<1250x80x128xf32, #tpu.memory_space<hbm>> -> memref<1x80x128xf32, #tpu.memory_space<hbm>>
        %dma_wait3A_134 = tpu.memref_squeeze %dma_wait3A_133 : memref<1x80x128xf32, #tpu.memory_space<hbm>> -> memref<80x128xf32, #tpu.memory_space<hbm>>
        tpu.wait_dma2 semaphore(%arg17 : memref<!tpu.dma_semaphore, #tpu.memory_space<semaphore_mem>>) src(%dma_wait3A_134 : memref<80x128xf32, #tpu.memory_space<hbm>>) dst(%arg12 : memref<80x128xf32, #tpu.memory_space<vmem>>)
        "tpu.region"() ({
          %run_scoped3A = tpu.sem_alloc : memref<!tpu.dma_semaphore, #tpu.memory_space<semaphore_mem>>
          %dma_start3A_141 = arith.constant 0 : i32
          %dma_start3A_142 = arith.constant 0 : i32
          %dma_start3A_143 = tpu.memref_slice %arg16[%dma_start3A_141, %dma_start3A_142] : memref<640x128xf32, #tpu.memory_space<vmem_shared>> -> memref<640x128xf32, #tpu.memory_space<vmem_shared>>
          tpu.enqueue_indirect_dma source(%arg12 : memref<80x128xf32, #tpu.memory_space<vmem>>) target(%dma_start3A_143 : memref<640x128xf32, #tpu.memory_space<vmem_shared>>) offsets(%arg8 : memref<80xi32, #tpu.memory_space<vmem>>) semaphore(%run_scoped3A : memref<!tpu.dma_semaphore, #tpu.memory_space<semaphore_mem>>) {add = true}
          %dma_wait3A_144 = arith.constant 0 : i32
          %dma_wait3A_145 = arith.constant 0 : i32
          %dma_wait3A_146 = tpu.memref_slice %arg16[%dma_wait3A_144, %dma_wait3A_145] : memref<640x128xf32, #tpu.memory_space<vmem_shared>> -> memref<640x128xf32, #tpu.memory_space<vmem_shared>>
          tpu.wait_indirect_dma semaphore(%run_scoped3A : memref<!tpu.dma_semaphore, #tpu.memory_space<semaphore_mem>>) src(%arg12 : memref<80x128xf32, #tpu.memory_space<vmem>>) dst(%dma_wait3A_146 : memref<640x128xf32, #tpu.memory_space<vmem_shared>>)
          tpu.yield
        }) : () -> ()
        %add3A_135 = arith.constant 4 : i32
        %add3A_136 = arith.addi %add3A_92, %add3A_135 : i32
        %lt3A_137 = arith.cmpi slt, %add3A_136, %select_n3A : i32
        %convert_element_type3A_138 = arith.extui %lt3A_137 : i1 to i32
        %cond3A_139 = arith.constant 0 : i32
        %cond3A_140 = arith.cmpi ne, %convert_element_type3A_138, %cond3A_139 : i32
        scf.if %cond3A_140 {
          %add3A_141 = arith.constant 4 : i32
          %add3A_142 = arith.addi %add3A_92, %add3A_141 : i32
          %mul3A_143 = arith.constant 32 : i32
          %mul3A_144 = arith.muli %mul3A_143, %add3A_142 : i32
          %add3A_145 = arith.addi %add3A, %mul3A_144 : i32
          %dma_start3A_146 = arith.constant 0 : i32
          %dma_start3A_147 = tpu.memref_slice %arg3[%add3A_145, %dma_start3A_146] : memref<1250x80xi32, #tpu.memory_space<hbm>> -> memref<1x80xi32, #tpu.memory_space<hbm>>
          %dma_start3A_148 = tpu.memref_squeeze %dma_start3A_147 : memref<1x80xi32, #tpu.memory_space<hbm>> -> memref<80xi32, #tpu.memory_space<hbm>>
          %dma_start3A_149 = arith.constant 0 : i32
          %dma_start3A_150 = tpu.memref_slice %arg3[%add3A_145, %dma_start3A_149] : memref<1250x80xi32, #tpu.memory_space<hbm>> -> memref<1x80xi32, #tpu.memory_space<hbm>>
          %dma_start3A_151 = tpu.memref_squeeze %dma_start3A_150 : memref<1x80xi32, #tpu.memory_space<hbm>> -> memref<80xi32, #tpu.memory_space<hbm>>
          tpu.enqueue_dma source(%dma_start3A_151 : memref<80xi32, #tpu.memory_space<hbm>>) target(%arg8 : memref<80xi32, #tpu.memory_space<vmem>>) target_semaphore(%arg17 : memref<!tpu.dma_semaphore, #tpu.memory_space<semaphore_mem>>)
          %dma_start3A_152 = arith.constant 0 : i32
          %dma_start3A_153 = arith.constant 0 : i32
          %dma_start3A_154 = tpu.memref_slice %arg2[%add3A_145, %dma_start3A_152, %dma_start3A_153] : memref<1250x80x128xf32, #tpu.memory_space<hbm>> -> memref<1x80x128xf32, #tpu.memory_space<hbm>>
          %dma_start3A_155 = tpu.memref_squeeze %dma_start3A_154 : memref<1x80x128xf32, #tpu.memory_space<hbm>> -> memref<80x128xf32, #tpu.memory_space<hbm>>
          %dma_start3A_156 = arith.constant 0 : i32
          %dma_start3A_157 = arith.constant 0 : i32
          %dma_start3A_158 = tpu.memref_slice %arg2[%add3A_145, %dma_start3A_156, %dma_start3A_157] : memref<1250x80x128xf32, #tpu.memory_space<hbm>> -> memref<1x80x128xf32, #tpu.memory_space<hbm>>
          %dma_start3A_159 = tpu.memref_squeeze %dma_start3A_158 : memref<1x80x128xf32, #tpu.memory_space<hbm>> -> memref<80x128xf32, #tpu.memory_space<hbm>>
          tpu.enqueue_dma source(%dma_start3A_159 : memref<80x128xf32, #tpu.memory_space<hbm>>) target(%arg12 : memref<80x128xf32, #tpu.memory_space<vmem>>) target_semaphore(%arg17 : memref<!tpu.dma_semaphore, #tpu.memory_space<semaphore_mem>>)
        } else {
        }
      } else {
      }
      %mul3A_95 = arith.constant 4 : i32
      %mul3A_96 = arith.muli %mul3A_95, %scan3A_88 : i32
      %add3A_97 = arith.constant 1 : i32
      %add3A_98 = arith.addi %mul3A_96, %add3A_97 : i32
      %lt3A_99 = arith.cmpi slt, %add3A_98, %select_n3A : i32
      %convert_element_type3A_100 = arith.extui %lt3A_99 : i1 to i32
      %cond3A_101 = arith.constant 0 : i32
      %cond3A_102 = arith.cmpi ne, %convert_element_type3A_100, %cond3A_101 : i32
      scf.if %cond3A_102 {
        %mul3A_119 = arith.constant 32 : i32
        %mul3A_120 = arith.muli %mul3A_119, %add3A_98 : i32
        %add3A_121 = arith.addi %add3A, %mul3A_120 : i32
        %dma_wait3A = arith.constant 0 : i32
        %dma_wait3A_122 = tpu.memref_slice %arg3[%add3A_121, %dma_wait3A] : memref<1250x80xi32, #tpu.memory_space<hbm>> -> memref<1x80xi32, #tpu.memory_space<hbm>>
        %dma_wait3A_123 = tpu.memref_squeeze %dma_wait3A_122 : memref<1x80xi32, #tpu.memory_space<hbm>> -> memref<80xi32, #tpu.memory_space<hbm>>
        %dma_wait3A_124 = arith.constant 0 : i32
        %dma_wait3A_125 = tpu.memref_slice %arg3[%add3A_121, %dma_wait3A_124] : memref<1250x80xi32, #tpu.memory_space<hbm>> -> memref<1x80xi32, #tpu.memory_space<hbm>>
        %dma_wait3A_126 = tpu.memref_squeeze %dma_wait3A_125 : memref<1x80xi32, #tpu.memory_space<hbm>> -> memref<80xi32, #tpu.memory_space<hbm>>
        tpu.wait_dma2 semaphore(%arg18 : memref<!tpu.dma_semaphore, #tpu.memory_space<semaphore_mem>>) src(%dma_wait3A_126 : memref<80xi32, #tpu.memory_space<hbm>>) dst(%arg9 : memref<80xi32, #tpu.memory_space<vmem>>)
        %dma_wait3A_127 = arith.constant 0 : i32
        %dma_wait3A_128 = arith.constant 0 : i32
        %dma_wait3A_129 = tpu.memref_slice %arg2[%add3A_121, %dma_wait3A_127, %dma_wait3A_128] : memref<1250x80x128xf32, #tpu.memory_space<hbm>> -> memref<1x80x128xf32, #tpu.memory_space<hbm>>
        %dma_wait3A_130 = tpu.memref_squeeze %dma_wait3A_129 : memref<1x80x128xf32, #tpu.memory_space<hbm>> -> memref<80x128xf32, #tpu.memory_space<hbm>>
        %dma_wait3A_131 = arith.constant 0 : i32
        %dma_wait3A_132 = arith.constant 0 : i32
        %dma_wait3A_133 = tpu.memref_slice %arg2[%add3A_121, %dma_wait3A_131, %dma_wait3A_132] : memref<1250x80x128xf32, #tpu.memory_space<hbm>> -> memref<1x80x128xf32, #tpu.memory_space<hbm>>
        %dma_wait3A_134 = tpu.memref_squeeze %dma_wait3A_133 : memref<1x80x128xf32, #tpu.memory_space<hbm>> -> memref<80x128xf32, #tpu.memory_space<hbm>>
        tpu.wait_dma2 semaphore(%arg18 : memref<!tpu.dma_semaphore, #tpu.memory_space<semaphore_mem>>) src(%dma_wait3A_134 : memref<80x128xf32, #tpu.memory_space<hbm>>) dst(%arg13 : memref<80x128xf32, #tpu.memory_space<vmem>>)
        "tpu.region"() ({
          %run_scoped3A = tpu.sem_alloc : memref<!tpu.dma_semaphore, #tpu.memory_space<semaphore_mem>>
          %dma_start3A_141 = arith.constant 0 : i32
          %dma_start3A_142 = arith.constant 0 : i32
          %dma_start3A_143 = tpu.memref_slice %arg16[%dma_start3A_141, %dma_start3A_142] : memref<640x128xf32, #tpu.memory_space<vmem_shared>> -> memref<640x128xf32, #tpu.memory_space<vmem_shared>>
          tpu.enqueue_indirect_dma source(%arg13 : memref<80x128xf32, #tpu.memory_space<vmem>>) target(%dma_start3A_143 : memref<640x128xf32, #tpu.memory_space<vmem_shared>>) offsets(%arg9 : memref<80xi32, #tpu.memory_space<vmem>>) semaphore(%run_scoped3A : memref<!tpu.dma_semaphore, #tpu.memory_space<semaphore_mem>>) {add = true}
          %dma_wait3A_144 = arith.constant 0 : i32
          %dma_wait3A_145 = arith.constant 0 : i32
          %dma_wait3A_146 = tpu.memref_slice %arg16[%dma_wait3A_144, %dma_wait3A_145] : memref<640x128xf32, #tpu.memory_space<vmem_shared>> -> memref<640x128xf32, #tpu.memory_space<vmem_shared>>
          tpu.wait_indirect_dma semaphore(%run_scoped3A : memref<!tpu.dma_semaphore, #tpu.memory_space<semaphore_mem>>) src(%arg13 : memref<80x128xf32, #tpu.memory_space<vmem>>) dst(%dma_wait3A_146 : memref<640x128xf32, #tpu.memory_space<vmem_shared>>)
          tpu.yield
        }) : () -> ()
        %add3A_135 = arith.constant 4 : i32
        %add3A_136 = arith.addi %add3A_98, %add3A_135 : i32
        %lt3A_137 = arith.cmpi slt, %add3A_136, %select_n3A : i32
        %convert_element_type3A_138 = arith.extui %lt3A_137 : i1 to i32
        %cond3A_139 = arith.constant 0 : i32
        %cond3A_140 = arith.cmpi ne, %convert_element_type3A_138, %cond3A_139 : i32
        scf.if %cond3A_140 {
          %add3A_141 = arith.constant 4 : i32
          %add3A_142 = arith.addi %add3A_98, %add3A_141 : i32
          %mul3A_143 = arith.constant 32 : i32
          %mul3A_144 = arith.muli %mul3A_143, %add3A_142 : i32
          %add3A_145 = arith.addi %add3A, %mul3A_144 : i32
          %dma_start3A_146 = arith.constant 0 : i32
          %dma_start3A_147 = tpu.memref_slice %arg3[%add3A_145, %dma_start3A_146] : memref<1250x80xi32, #tpu.memory_space<hbm>> -> memref<1x80xi32, #tpu.memory_space<hbm>>
          %dma_start3A_148 = tpu.memref_squeeze %dma_start3A_147 : memref<1x80xi32, #tpu.memory_space<hbm>> -> memref<80xi32, #tpu.memory_space<hbm>>
          %dma_start3A_149 = arith.constant 0 : i32
          %dma_start3A_150 = tpu.memref_slice %arg3[%add3A_145, %dma_start3A_149] : memref<1250x80xi32, #tpu.memory_space<hbm>> -> memref<1x80xi32, #tpu.memory_space<hbm>>
          %dma_start3A_151 = tpu.memref_squeeze %dma_start3A_150 : memref<1x80xi32, #tpu.memory_space<hbm>> -> memref<80xi32, #tpu.memory_space<hbm>>
          tpu.enqueue_dma source(%dma_start3A_151 : memref<80xi32, #tpu.memory_space<hbm>>) target(%arg9 : memref<80xi32, #tpu.memory_space<vmem>>) target_semaphore(%arg18 : memref<!tpu.dma_semaphore, #tpu.memory_space<semaphore_mem>>)
          %dma_start3A_152 = arith.constant 0 : i32
          %dma_start3A_153 = arith.constant 0 : i32
          %dma_start3A_154 = tpu.memref_slice %arg2[%add3A_145, %dma_start3A_152, %dma_start3A_153] : memref<1250x80x128xf32, #tpu.memory_space<hbm>> -> memref<1x80x128xf32, #tpu.memory_space<hbm>>
          %dma_start3A_155 = tpu.memref_squeeze %dma_start3A_154 : memref<1x80x128xf32, #tpu.memory_space<hbm>> -> memref<80x128xf32, #tpu.memory_space<hbm>>
          %dma_start3A_156 = arith.constant 0 : i32
          %dma_start3A_157 = arith.constant 0 : i32
          %dma_start3A_158 = tpu.memref_slice %arg2[%add3A_145, %dma_start3A_156, %dma_start3A_157] : memref<1250x80x128xf32, #tpu.memory_space<hbm>> -> memref<1x80x128xf32, #tpu.memory_space<hbm>>
          %dma_start3A_159 = tpu.memref_squeeze %dma_start3A_158 : memref<1x80x128xf32, #tpu.memory_space<hbm>> -> memref<80x128xf32, #tpu.memory_space<hbm>>
          tpu.enqueue_dma source(%dma_start3A_159 : memref<80x128xf32, #tpu.memory_space<hbm>>) target(%arg13 : memref<80x128xf32, #tpu.memory_space<vmem>>) target_semaphore(%arg18 : memref<!tpu.dma_semaphore, #tpu.memory_space<semaphore_mem>>)
        } else {
        }
      } else {
      }
      %mul3A_103 = arith.constant 4 : i32
      %mul3A_104 = arith.muli %mul3A_103, %scan3A_88 : i32
      %add3A_105 = arith.constant 2 : i32
      %add3A_106 = arith.addi %mul3A_104, %add3A_105 : i32
      %lt3A_107 = arith.cmpi slt, %add3A_106, %select_n3A : i32
      %convert_element_type3A_108 = arith.extui %lt3A_107 : i1 to i32
      %cond3A_109 = arith.constant 0 : i32
      %cond3A_110 = arith.cmpi ne, %convert_element_type3A_108, %cond3A_109 : i32
      scf.if %cond3A_110 {
        %mul3A_119 = arith.constant 32 : i32
        %mul3A_120 = arith.muli %mul3A_119, %add3A_106 : i32
        %add3A_121 = arith.addi %add3A, %mul3A_120 : i32
        %dma_wait3A = arith.constant 0 : i32
        %dma_wait3A_122 = tpu.memref_slice %arg3[%add3A_121, %dma_wait3A] : memref<1250x80xi32, #tpu.memory_space<hbm>> -> memref<1x80xi32, #tpu.memory_space<hbm>>
        %dma_wait3A_123 = tpu.memref_squeeze %dma_wait3A_122 : memref<1x80xi32, #tpu.memory_space<hbm>> -> memref<80xi32, #tpu.memory_space<hbm>>
        %dma_wait3A_124 = arith.constant 0 : i32
        %dma_wait3A_125 = tpu.memref_slice %arg3[%add3A_121, %dma_wait3A_124] : memref<1250x80xi32, #tpu.memory_space<hbm>> -> memref<1x80xi32, #tpu.memory_space<hbm>>
        %dma_wait3A_126 = tpu.memref_squeeze %dma_wait3A_125 : memref<1x80xi32, #tpu.memory_space<hbm>> -> memref<80xi32, #tpu.memory_space<hbm>>
        tpu.wait_dma2 semaphore(%arg19 : memref<!tpu.dma_semaphore, #tpu.memory_space<semaphore_mem>>) src(%dma_wait3A_126 : memref<80xi32, #tpu.memory_space<hbm>>) dst(%arg10 : memref<80xi32, #tpu.memory_space<vmem>>)
        %dma_wait3A_127 = arith.constant 0 : i32
        %dma_wait3A_128 = arith.constant 0 : i32
        %dma_wait3A_129 = tpu.memref_slice %arg2[%add3A_121, %dma_wait3A_127, %dma_wait3A_128] : memref<1250x80x128xf32, #tpu.memory_space<hbm>> -> memref<1x80x128xf32, #tpu.memory_space<hbm>>
        %dma_wait3A_130 = tpu.memref_squeeze %dma_wait3A_129 : memref<1x80x128xf32, #tpu.memory_space<hbm>> -> memref<80x128xf32, #tpu.memory_space<hbm>>
        %dma_wait3A_131 = arith.constant 0 : i32
        %dma_wait3A_132 = arith.constant 0 : i32
        %dma_wait3A_133 = tpu.memref_slice %arg2[%add3A_121, %dma_wait3A_131, %dma_wait3A_132] : memref<1250x80x128xf32, #tpu.memory_space<hbm>> -> memref<1x80x128xf32, #tpu.memory_space<hbm>>
        %dma_wait3A_134 = tpu.memref_squeeze %dma_wait3A_133 : memref<1x80x128xf32, #tpu.memory_space<hbm>> -> memref<80x128xf32, #tpu.memory_space<hbm>>
        tpu.wait_dma2 semaphore(%arg19 : memref<!tpu.dma_semaphore, #tpu.memory_space<semaphore_mem>>) src(%dma_wait3A_134 : memref<80x128xf32, #tpu.memory_space<hbm>>) dst(%arg14 : memref<80x128xf32, #tpu.memory_space<vmem>>)
        "tpu.region"() ({
          %run_scoped3A = tpu.sem_alloc : memref<!tpu.dma_semaphore, #tpu.memory_space<semaphore_mem>>
          %dma_start3A_141 = arith.constant 0 : i32
          %dma_start3A_142 = arith.constant 0 : i32
          %dma_start3A_143 = tpu.memref_slice %arg16[%dma_start3A_141, %dma_start3A_142] : memref<640x128xf32, #tpu.memory_space<vmem_shared>> -> memref<640x128xf32, #tpu.memory_space<vmem_shared>>
          tpu.enqueue_indirect_dma source(%arg14 : memref<80x128xf32, #tpu.memory_space<vmem>>) target(%dma_start3A_143 : memref<640x128xf32, #tpu.memory_space<vmem_shared>>) offsets(%arg10 : memref<80xi32, #tpu.memory_space<vmem>>) semaphore(%run_scoped3A : memref<!tpu.dma_semaphore, #tpu.memory_space<semaphore_mem>>) {add = true}
          %dma_wait3A_144 = arith.constant 0 : i32
          %dma_wait3A_145 = arith.constant 0 : i32
          %dma_wait3A_146 = tpu.memref_slice %arg16[%dma_wait3A_144, %dma_wait3A_145] : memref<640x128xf32, #tpu.memory_space<vmem_shared>> -> memref<640x128xf32, #tpu.memory_space<vmem_shared>>
          tpu.wait_indirect_dma semaphore(%run_scoped3A : memref<!tpu.dma_semaphore, #tpu.memory_space<semaphore_mem>>) src(%arg14 : memref<80x128xf32, #tpu.memory_space<vmem>>) dst(%dma_wait3A_146 : memref<640x128xf32, #tpu.memory_space<vmem_shared>>)
          tpu.yield
        }) : () -> ()
        %add3A_135 = arith.constant 4 : i32
        %add3A_136 = arith.addi %add3A_106, %add3A_135 : i32
        %lt3A_137 = arith.cmpi slt, %add3A_136, %select_n3A : i32
        %convert_element_type3A_138 = arith.extui %lt3A_137 : i1 to i32
        %cond3A_139 = arith.constant 0 : i32
        %cond3A_140 = arith.cmpi ne, %convert_element_type3A_138, %cond3A_139 : i32
        scf.if %cond3A_140 {
          %add3A_141 = arith.constant 4 : i32
          %add3A_142 = arith.addi %add3A_106, %add3A_141 : i32
          %mul3A_143 = arith.constant 32 : i32
          %mul3A_144 = arith.muli %mul3A_143, %add3A_142 : i32
          %add3A_145 = arith.addi %add3A, %mul3A_144 : i32
          %dma_start3A_146 = arith.constant 0 : i32
          %dma_start3A_147 = tpu.memref_slice %arg3[%add3A_145, %dma_start3A_146] : memref<1250x80xi32, #tpu.memory_space<hbm>> -> memref<1x80xi32, #tpu.memory_space<hbm>>
          %dma_start3A_148 = tpu.memref_squeeze %dma_start3A_147 : memref<1x80xi32, #tpu.memory_space<hbm>> -> memref<80xi32, #tpu.memory_space<hbm>>
          %dma_start3A_149 = arith.constant 0 : i32
          %dma_start3A_150 = tpu.memref_slice %arg3[%add3A_145, %dma_start3A_149] : memref<1250x80xi32, #tpu.memory_space<hbm>> -> memref<1x80xi32, #tpu.memory_space<hbm>>
          %dma_start3A_151 = tpu.memref_squeeze %dma_start3A_150 : memref<1x80xi32, #tpu.memory_space<hbm>> -> memref<80xi32, #tpu.memory_space<hbm>>
          tpu.enqueue_dma source(%dma_start3A_151 : memref<80xi32, #tpu.memory_space<hbm>>) target(%arg10 : memref<80xi32, #tpu.memory_space<vmem>>) target_semaphore(%arg19 : memref<!tpu.dma_semaphore, #tpu.memory_space<semaphore_mem>>)
          %dma_start3A_152 = arith.constant 0 : i32
          %dma_start3A_153 = arith.constant 0 : i32
          %dma_start3A_154 = tpu.memref_slice %arg2[%add3A_145, %dma_start3A_152, %dma_start3A_153] : memref<1250x80x128xf32, #tpu.memory_space<hbm>> -> memref<1x80x128xf32, #tpu.memory_space<hbm>>
          %dma_start3A_155 = tpu.memref_squeeze %dma_start3A_154 : memref<1x80x128xf32, #tpu.memory_space<hbm>> -> memref<80x128xf32, #tpu.memory_space<hbm>>
          %dma_start3A_156 = arith.constant 0 : i32
          %dma_start3A_157 = arith.constant 0 : i32
          %dma_start3A_158 = tpu.memref_slice %arg2[%add3A_145, %dma_start3A_156, %dma_start3A_157] : memref<1250x80x128xf32, #tpu.memory_space<hbm>> -> memref<1x80x128xf32, #tpu.memory_space<hbm>>
          %dma_start3A_159 = tpu.memref_squeeze %dma_start3A_158 : memref<1x80x128xf32, #tpu.memory_space<hbm>> -> memref<80x128xf32, #tpu.memory_space<hbm>>
          tpu.enqueue_dma source(%dma_start3A_159 : memref<80x128xf32, #tpu.memory_space<hbm>>) target(%arg14 : memref<80x128xf32, #tpu.memory_space<vmem>>) target_semaphore(%arg19 : memref<!tpu.dma_semaphore, #tpu.memory_space<semaphore_mem>>)
        } else {
        }
      } else {
      }
      %mul3A_111 = arith.constant 4 : i32
      %mul3A_112 = arith.muli %mul3A_111, %scan3A_88 : i32
      %add3A_113 = arith.constant 3 : i32
      %add3A_114 = arith.addi %mul3A_112, %add3A_113 : i32
      %lt3A_115 = arith.cmpi slt, %add3A_114, %select_n3A : i32
      %convert_element_type3A_116 = arith.extui %lt3A_115 : i1 to i32
      %cond3A_117 = arith.constant 0 : i32
      %cond3A_118 = arith.cmpi ne, %convert_element_type3A_116, %cond3A_117 : i32
      scf.if %cond3A_118 {
        %mul3A_119 = arith.constant 32 : i32
        %mul3A_120 = arith.muli %mul3A_119, %add3A_114 : i32
        %add3A_121 = arith.addi %add3A, %mul3A_120 : i32
        %dma_wait3A = arith.constant 0 : i32
        %dma_wait3A_122 = tpu.memref_slice %arg3[%add3A_121, %dma_wait3A] : memref<1250x80xi32, #tpu.memory_space<hbm>> -> memref<1x80xi32, #tpu.memory_space<hbm>>
        %dma_wait3A_123 = tpu.memref_squeeze %dma_wait3A_122 : memref<1x80xi32, #tpu.memory_space<hbm>> -> memref<80xi32, #tpu.memory_space<hbm>>
        %dma_wait3A_124 = arith.constant 0 : i32
        %dma_wait3A_125 = tpu.memref_slice %arg3[%add3A_121, %dma_wait3A_124] : memref<1250x80xi32, #tpu.memory_space<hbm>> -> memref<1x80xi32, #tpu.memory_space<hbm>>
        %dma_wait3A_126 = tpu.memref_squeeze %dma_wait3A_125 : memref<1x80xi32, #tpu.memory_space<hbm>> -> memref<80xi32, #tpu.memory_space<hbm>>
        tpu.wait_dma2 semaphore(%arg20 : memref<!tpu.dma_semaphore, #tpu.memory_space<semaphore_mem>>) src(%dma_wait3A_126 : memref<80xi32, #tpu.memory_space<hbm>>) dst(%arg11 : memref<80xi32, #tpu.memory_space<vmem>>)
        %dma_wait3A_127 = arith.constant 0 : i32
        %dma_wait3A_128 = arith.constant 0 : i32
        %dma_wait3A_129 = tpu.memref_slice %arg2[%add3A_121, %dma_wait3A_127, %dma_wait3A_128] : memref<1250x80x128xf32, #tpu.memory_space<hbm>> -> memref<1x80x128xf32, #tpu.memory_space<hbm>>
        %dma_wait3A_130 = tpu.memref_squeeze %dma_wait3A_129 : memref<1x80x128xf32, #tpu.memory_space<hbm>> -> memref<80x128xf32, #tpu.memory_space<hbm>>
        %dma_wait3A_131 = arith.constant 0 : i32
        %dma_wait3A_132 = arith.constant 0 : i32
        %dma_wait3A_133 = tpu.memref_slice %arg2[%add3A_121, %dma_wait3A_131, %dma_wait3A_132] : memref<1250x80x128xf32, #tpu.memory_space<hbm>> -> memref<1x80x128xf32, #tpu.memory_space<hbm>>
        %dma_wait3A_134 = tpu.memref_squeeze %dma_wait3A_133 : memref<1x80x128xf32, #tpu.memory_space<hbm>> -> memref<80x128xf32, #tpu.memory_space<hbm>>
        tpu.wait_dma2 semaphore(%arg20 : memref<!tpu.dma_semaphore, #tpu.memory_space<semaphore_mem>>) src(%dma_wait3A_134 : memref<80x128xf32, #tpu.memory_space<hbm>>) dst(%arg15 : memref<80x128xf32, #tpu.memory_space<vmem>>)
        "tpu.region"() ({
          %run_scoped3A = tpu.sem_alloc : memref<!tpu.dma_semaphore, #tpu.memory_space<semaphore_mem>>
          %dma_start3A_141 = arith.constant 0 : i32
          %dma_start3A_142 = arith.constant 0 : i32
          %dma_start3A_143 = tpu.memref_slice %arg16[%dma_start3A_141, %dma_start3A_142] : memref<640x128xf32, #tpu.memory_space<vmem_shared>> -> memref<640x128xf32, #tpu.memory_space<vmem_shared>>
          tpu.enqueue_indirect_dma source(%arg15 : memref<80x128xf32, #tpu.memory_space<vmem>>) target(%dma_start3A_143 : memref<640x128xf32, #tpu.memory_space<vmem_shared>>) offsets(%arg11 : memref<80xi32, #tpu.memory_space<vmem>>) semaphore(%run_scoped3A : memref<!tpu.dma_semaphore, #tpu.memory_space<semaphore_mem>>) {add = true}
          %dma_wait3A_144 = arith.constant 0 : i32
          %dma_wait3A_145 = arith.constant 0 : i32
          %dma_wait3A_146 = tpu.memref_slice %arg16[%dma_wait3A_144, %dma_wait3A_145] : memref<640x128xf32, #tpu.memory_space<vmem_shared>> -> memref<640x128xf32, #tpu.memory_space<vmem_shared>>
          tpu.wait_indirect_dma semaphore(%run_scoped3A : memref<!tpu.dma_semaphore, #tpu.memory_space<semaphore_mem>>) src(%arg15 : memref<80x128xf32, #tpu.memory_space<vmem>>) dst(%dma_wait3A_146 : memref<640x128xf32, #tpu.memory_space<vmem_shared>>)
          tpu.yield
        }) : () -> ()
        %add3A_135 = arith.constant 4 : i32
        %add3A_136 = arith.addi %add3A_114, %add3A_135 : i32
        %lt3A_137 = arith.cmpi slt, %add3A_136, %select_n3A : i32
        %convert_element_type3A_138 = arith.extui %lt3A_137 : i1 to i32
        %cond3A_139 = arith.constant 0 : i32
        %cond3A_140 = arith.cmpi ne, %convert_element_type3A_138, %cond3A_139 : i32
        scf.if %cond3A_140 {
          %add3A_141 = arith.constant 4 : i32
          %add3A_142 = arith.addi %add3A_114, %add3A_141 : i32
          %mul3A_143 = arith.constant 32 : i32
          %mul3A_144 = arith.muli %mul3A_143, %add3A_142 : i32
          %add3A_145 = arith.addi %add3A, %mul3A_144 : i32
          %dma_start3A_146 = arith.constant 0 : i32
          %dma_start3A_147 = tpu.memref_slice %arg3[%add3A_145, %dma_start3A_146] : memref<1250x80xi32, #tpu.memory_space<hbm>> -> memref<1x80xi32, #tpu.memory_space<hbm>>
          %dma_start3A_148 = tpu.memref_squeeze %dma_start3A_147 : memref<1x80xi32, #tpu.memory_space<hbm>> -> memref<80xi32, #tpu.memory_space<hbm>>
          %dma_start3A_149 = arith.constant 0 : i32
          %dma_start3A_150 = tpu.memref_slice %arg3[%add3A_145, %dma_start3A_149] : memref<1250x80xi32, #tpu.memory_space<hbm>> -> memref<1x80xi32, #tpu.memory_space<hbm>>
          %dma_start3A_151 = tpu.memref_squeeze %dma_start3A_150 : memref<1x80xi32, #tpu.memory_space<hbm>> -> memref<80xi32, #tpu.memory_space<hbm>>
          tpu.enqueue_dma source(%dma_start3A_151 : memref<80xi32, #tpu.memory_space<hbm>>) target(%arg11 : memref<80xi32, #tpu.memory_space<vmem>>) target_semaphore(%arg20 : memref<!tpu.dma_semaphore, #tpu.memory_space<semaphore_mem>>)
          %dma_start3A_152 = arith.constant 0 : i32
          %dma_start3A_153 = arith.constant 0 : i32
          %dma_start3A_154 = tpu.memref_slice %arg2[%add3A_145, %dma_start3A_152, %dma_start3A_153] : memref<1250x80x128xf32, #tpu.memory_space<hbm>> -> memref<1x80x128xf32, #tpu.memory_space<hbm>>
          %dma_start3A_155 = tpu.memref_squeeze %dma_start3A_154 : memref<1x80x128xf32, #tpu.memory_space<hbm>> -> memref<80x128xf32, #tpu.memory_space<hbm>>
          %dma_start3A_156 = arith.constant 0 : i32
          %dma_start3A_157 = arith.constant 0 : i32
          %dma_start3A_158 = tpu.memref_slice %arg2[%add3A_145, %dma_start3A_156, %dma_start3A_157] : memref<1250x80x128xf32, #tpu.memory_space<hbm>> -> memref<1x80x128xf32, #tpu.memory_space<hbm>>
          %dma_start3A_159 = tpu.memref_squeeze %dma_start3A_158 : memref<1x80x128xf32, #tpu.memory_space<hbm>> -> memref<80x128xf32, #tpu.memory_space<hbm>>
          tpu.enqueue_dma source(%dma_start3A_159 : memref<80x128xf32, #tpu.memory_space<hbm>>) target(%arg15 : memref<80x128xf32, #tpu.memory_space<vmem>>) target_semaphore(%arg20 : memref<!tpu.dma_semaphore, #tpu.memory_space<semaphore_mem>>)
        } else {
        }
      } else {
      }
    }
    %scan3A_82 = arith.constant 10 : i32
    %barrier3A_83 = arith.constant 0 : index
    tpu.barrier barrier_id(%barrier3A_83)
    %mul3A_84 = arith.constant 40 : i32
    %mul3A_85 = arith.muli %mul3A_84, %arg1 : i32
    %mul3A_86 = arith.constant 40 : i32
    %mul3A_87 = arith.muli %mul3A_86, %arg1 : i32
    "tpu.region"() ({
      %run_scoped3A = tpu.sem_alloc : memref<!tpu.dma_semaphore, #tpu.memory_space<semaphore_mem>>
      %dma_start3A_88 = arith.constant 0 : i32
      %dma_start3A_89 = tpu.memref_slice %arg7[%arg0, %mul3A_87, %dma_start3A_88] : memref<2x640x128xf32, #tpu.memory_space<hbm>> -> memref<1x40x128xf32, #tpu.memory_space<hbm>>
      %dma_start3A_90 = tpu.memref_squeeze %dma_start3A_89 : memref<1x40x128xf32, #tpu.memory_space<hbm>> -> memref<40x128xf32, #tpu.memory_space<hbm>>
      %dma_start3A_91 = arith.constant 0 : i32
      %dma_start3A_92 = tpu.memref_slice %arg16[%mul3A_85, %dma_start3A_91] : memref<640x128xf32, #tpu.memory_space<vmem_shared>> -> memref<40x128xf32, #tpu.memory_space<vmem_shared>>
      tpu.enqueue_dma source(%dma_start3A_92 : memref<40x128xf32, #tpu.memory_space<vmem_shared>>) target(%dma_start3A_90 : memref<40x128xf32, #tpu.memory_space<hbm>>) target_semaphore(%run_scoped3A : memref<!tpu.dma_semaphore, #tpu.memory_space<semaphore_mem>>)
      %dma_wait3A = arith.constant 0 : i32
      %dma_wait3A_93 = tpu.memref_slice %arg7[%arg0, %mul3A_87, %dma_wait3A] : memref<2x640x128xf32, #tpu.memory_space<hbm>> -> memref<1x40x128xf32, #tpu.memory_space<hbm>>
      %dma_wait3A_94 = tpu.memref_squeeze %dma_wait3A_93 : memref<1x40x128xf32, #tpu.memory_space<hbm>> -> memref<40x128xf32, #tpu.memory_space<hbm>>
      %dma_wait3A_95 = arith.constant 0 : i32
      %dma_wait3A_96 = tpu.memref_slice %arg16[%mul3A_85, %dma_wait3A_95] : memref<640x128xf32, #tpu.memory_space<vmem_shared>> -> memref<40x128xf32, #tpu.memory_space<vmem_shared>>
      tpu.wait_dma2 semaphore(%run_scoped3A : memref<!tpu.dma_semaphore, #tpu.memory_space<semaphore_mem>>) src(%dma_wait3A_96 : memref<40x128xf32, #tpu.memory_space<vmem_shared>>) dst(%dma_wait3A_94 : memref<40x128xf32, #tpu.memory_space<hbm>>)
      tpu.yield
    }) : () -> ()
    return
  }
}

module attributes {stable_mosaic.version = 14 : i64} {
  func.func @_mlp_body(%arg0: memref<2x640x128xf32, #tpu.memory_space<vmem>>, %arg1: memref<512x1xf32, #tpu.memory_space<vmem>>, %arg2: memref<128x128xf32, #tpu.memory_space<vmem>>, %arg3: memref<1x128xf32, #tpu.memory_space<vmem>>, %arg4: memref<1x1xf32, #tpu.memory_space<vmem>>, %arg5: memref<128x128xf32, #tpu.memory_space<vmem>>, %arg6: memref<1x128xf32, #tpu.memory_space<vmem>>, %arg7: memref<512x128xf32, #tpu.memory_space<vmem>>) attributes {dimension_semantics = [], scalar_prefetch = 0 : i64, scratch_operands = 0 : i64, tpu.core_type = #tpu.core_type<tc>} {
    %get3A = arith.constant 0 : index
    %get3A_0 = arith.constant 0 : index
    %get3A_1 = arith.constant 0 : index
    %get3A_2 = vector.load %arg0[%get3A, %get3A_0, %get3A_1] : memref<2x640x128xf32, #tpu.memory_space<vmem>>, vector<1x640x128xf32>
    %get3A_3 = vector.shape_cast %get3A_2 : vector<1x640x128xf32> to vector<640x128xf32>
    %get3A_4 = arith.constant 1 : index
    %get3A_5 = arith.constant 0 : index
    %get3A_6 = arith.constant 0 : index
    %get3A_7 = vector.load %arg0[%get3A_4, %get3A_5, %get3A_6] : memref<2x640x128xf32, #tpu.memory_space<vmem>>, vector<1x640x128xf32>
    %get3A_8 = vector.shape_cast %get3A_7 : vector<1x640x128xf32> to vector<640x128xf32>
    %add3A = arith.addf %get3A_3, %get3A_8 : vector<640x128xf32>
    %slice3A = vector.extract_strided_slice %add3A {offsets = [0, 0], sizes = [512, 128], strides = [1, 1]} : vector<640x128xf32> to vector<512x128xf32>
    %get3A_9 = arith.constant 0 : index
    %get3A_10 = arith.constant 0 : index
    %get3A_11 = vector.load %arg1[%get3A_9, %get3A_10] : memref<512x1xf32, #tpu.memory_space<vmem>>, vector<512x1xf32>
    %jit3A = arith.constant 1.000000e+00 : f32
    %max3A = vector.broadcast %jit3A : f32 to vector<512x1xf32>
    %max3A_12 = arith.maximumf %max3A, %get3A_11 : vector<512x1xf32>
    %div3A = vector.broadcast %max3A_12 : vector<512x1xf32> to vector<512x128xf32>
    %div3A_13 = arith.divf %slice3A, %div3A : vector<512x128xf32>
    %get3A_14 = arith.constant 0 : index
    %get3A_15 = arith.constant 0 : index
    %get3A_16 = vector.load %arg2[%get3A_14, %get3A_15] : memref<128x128xf32, #tpu.memory_space<vmem>>, vector<128x128xf32>
    %dot_general3A = arith.constant dense<0.000000e+00> : vector<512x128xf32>
    %dot_general3A_17 = tpu.matmul %div3A_13, %get3A_16, %dot_general3A {dimension_numbers = #tpu.dot_dimension_numbers<[1], [0], [0], [1], [0, 0, 1, 1], [], []>, transpose_lhs_hint = false} : vector<512x128xf32>, vector<128x128xf32>, vector<512x128xf32> -> vector<512x128xf32>
    %get3A_18 = arith.constant 0 : index
    %get3A_19 = arith.constant 0 : index
    %get3A_20 = vector.load %arg3[%get3A_18, %get3A_19] : memref<1x128xf32, #tpu.memory_space<vmem>>, vector<1x128xf32>
    %add3A_21 = vector.broadcast %get3A_20 : vector<1x128xf32> to vector<512x128xf32>
    %add3A_22 = arith.addf %dot_general3A_17, %add3A_21 : vector<512x128xf32>
    %get3A_23 = arith.constant 0 : index
    %get3A_24 = arith.constant 0 : index
    %get3A_25 = vector.load %arg4[%get3A_23, %get3A_24] : memref<1x1xf32, #tpu.memory_space<vmem>>, vector<1x1xf32>
    %get3A_26 = vector.extract %get3A_25[0, 0] : f32 from vector<1x1xf32>
    %ge3A = arith.constant 0.000000e+00 : f32
    %ge3A_27 = vector.broadcast %ge3A : f32 to vector<512x128xf32>
    %ge3A_28 = arith.cmpf oge, %add3A_22, %ge3A_27 : vector<512x128xf32>
    %mul3A = vector.broadcast %get3A_26 : f32 to vector<512x128xf32>
    %mul3A_29 = arith.mulf %mul3A, %add3A_22 : vector<512x128xf32>
    %select_n3A = arith.select %ge3A_28, %add3A_22, %mul3A_29 : vector<512x128xi1>, vector<512x128xf32>
    %get3A_30 = arith.constant 0 : index
    %get3A_31 = arith.constant 0 : index
    %get3A_32 = vector.load %arg5[%get3A_30, %get3A_31] : memref<128x128xf32, #tpu.memory_space<vmem>>, vector<128x128xf32>
    %dot_general3A_33 = arith.constant dense<0.000000e+00> : vector<512x128xf32>
    %dot_general3A_34 = tpu.matmul %select_n3A, %get3A_32, %dot_general3A_33 {dimension_numbers = #tpu.dot_dimension_numbers<[1], [0], [0], [1], [0, 0, 1, 1], [], []>, transpose_lhs_hint = false} : vector<512x128xf32>, vector<128x128xf32>, vector<512x128xf32> -> vector<512x128xf32>
    %get3A_35 = arith.constant 0 : index
    %get3A_36 = arith.constant 0 : index
    %get3A_37 = vector.load %arg6[%get3A_35, %get3A_36] : memref<1x128xf32, #tpu.memory_space<vmem>>, vector<1x128xf32>
    %add3A_38 = vector.broadcast %get3A_37 : vector<1x128xf32> to vector<512x128xf32>
    %add3A_39 = arith.addf %dot_general3A_34, %add3A_38 : vector<512x128xf32>
    %swap3A = arith.constant 0 : index
    %swap3A_40 = arith.constant 0 : index
    %swap3A_41 = vector.load %arg7[%swap3A, %swap3A_40] : memref<512x128xf32, #tpu.memory_space<vmem>>, vector<512x128xf32>
    tpu.vector_store %arg7[%swap3A, %swap3A_40], %add3A_39 {strides = array<i32>} : memref<512x128xf32, #tpu.memory_space<vmem>>, vector<512x128xf32>,
    return
  }
}

module attributes {stable_mosaic.version = 14 : i64} {
  func.func @_counts_body(%arg0: i32, %arg1: memref<1x12800xi32, #tpu.memory_space<vmem>>, %arg2: memref<32x16xf32, #tpu.memory_space<vmem>>) attributes {dimension_semantics = [#tpu.dimension_semantics<arbitrary>], iteration_bounds = array<i64: 8>, scalar_prefetch = 0 : i64, scratch_operands = 0 : i64, tpu.core_type = #tpu.core_type<tc>, window_params = [{transform_indices = @transform_0, window_bounds = array<i64: 1, 12800>}, {pipeline_mode = #tpu.pipeline_mode<synchronous>, transform_indices = @transform_1, window_bounds = array<i64: 32, 16>}]} {
    %eq3A = arith.constant 0 : i32
    %eq3A_0 = arith.cmpi eq, %arg0, %eq3A : i32
    %convert_element_type3A = arith.extui %eq3A_0 : i1 to i32
    %cond3A = arith.constant 0 : i32
    %cond3A_1 = arith.cmpi ne, %convert_element_type3A, %cond3A : i32
    scf.if %cond3A_1 {
      %broadcast_in_dim3A = arith.constant 0.000000e+00 : f32
      %broadcast_in_dim3A_27 = vector.broadcast %broadcast_in_dim3A : f32 to vector<32x16xf32>
      %swap3A_28 = arith.constant 0 : index
      %swap3A_29 = arith.constant 0 : index
      %swap3A_30 = vector.load %arg2[%swap3A_28, %swap3A_29] : memref<32x16xf32, #tpu.memory_space<vmem>>, vector<32x16xf32>
      tpu.vector_store %arg2[%swap3A_28, %swap3A_29], %broadcast_in_dim3A_27 {strides = array<i32>} : memref<32x16xf32, #tpu.memory_space<vmem>>, vector<32x16xf32>,
    } else {
    }
    %get3A = arith.constant 0 : index
    %get3A_2 = arith.constant 0 : index
    %get3A_3 = vector.load %arg1[%get3A, %get3A_2] : memref<1x12800xi32, #tpu.memory_space<vmem>>, vector<1x12800xi32>
    %shift_right_arithmetic3A = arith.constant 4 : i32
    %shift_right_arithmetic3A_4 = vector.broadcast %shift_right_arithmetic3A : i32 to vector<1x12800xi32>
    %shift_right_arithmetic3A_5 = arith.shrsi %get3A_3, %shift_right_arithmetic3A_4 : vector<1x12800xi32>
    %and3A = arith.constant 15 : i32
    %and3A_6 = vector.broadcast %and3A : i32 to vector<1x12800xi32>
    %and3A_7 = arith.andi %get3A_3, %and3A_6 : vector<1x12800xi32>
    %iota3A = tpu.iota {dimensions = array<i32: 0>} : vector<32x1xi32>
    %iota3A_8 = tpu.iota {dimensions = array<i32: 0>} : vector<16x1xi32>
    %eq3A_9 = vector.broadcast %shift_right_arithmetic3A_5 : vector<1x12800xi32> to vector<32x12800xi32>
    %eq3A_10 = vector.broadcast %iota3A : vector<32x1xi32> to vector<32x12800xi32>
    %eq3A_11 = arith.cmpi eq, %eq3A_9, %eq3A_10 : vector<32x12800xi32>
    %convert_element_type3A_12 = arith.extui %eq3A_11 : vector<32x12800xi1> to vector<32x12800xi32>
    %convert_element_type3A_13 = arith.sitofp %convert_element_type3A_12 : vector<32x12800xi32> to vector<32x12800xf32>
    %convert_element_type3A_14 = arith.truncf %convert_element_type3A_13 : vector<32x12800xf32> to vector<32x12800xbf16>
    %eq3A_15 = vector.broadcast %and3A_7 : vector<1x12800xi32> to vector<16x12800xi32>
    %eq3A_16 = vector.broadcast %iota3A_8 : vector<16x1xi32> to vector<16x12800xi32>
    %eq3A_17 = arith.cmpi eq, %eq3A_15, %eq3A_16 : vector<16x12800xi32>
    %convert_element_type3A_18 = arith.extui %eq3A_17 : vector<16x12800xi1> to vector<16x12800xi32>
    %convert_element_type3A_19 = arith.sitofp %convert_element_type3A_18 : vector<16x12800xi32> to vector<16x12800xf32>
    %convert_element_type3A_20 = arith.truncf %convert_element_type3A_19 : vector<16x12800xf32> to vector<16x12800xbf16>
    %get3A_21 = arith.constant 0 : index
    %get3A_22 = arith.constant 0 : index
    %get3A_23 = vector.load %arg2[%get3A_21, %get3A_22] : memref<32x16xf32, #tpu.memory_space<vmem>>, vector<32x16xf32>
    %dot_general3A = arith.constant dense<0.000000e+00> : vector<32x16xf32>
    %dot_general3A_24 = tpu.matmul %convert_element_type3A_14, %convert_element_type3A_20, %dot_general3A {dimension_numbers = #tpu.dot_dimension_numbers<[1], [1], [0], [0], [0, 0, 1, 0], [], []>, transpose_lhs_hint = false} : vector<32x12800xbf16>, vector<16x12800xbf16>, vector<32x16xf32> -> vector<32x16xf32>
    %add3A = arith.addf %get3A_23, %dot_general3A_24 : vector<32x16xf32>
    %swap3A = arith.constant 0 : index
    %swap3A_25 = arith.constant 0 : index
    %swap3A_26 = vector.load %arg2[%swap3A, %swap3A_25] : memref<32x16xf32, #tpu.memory_space<vmem>>, vector<32x16xf32>
    tpu.vector_store %arg2[%swap3A, %swap3A_25], %add3A {strides = array<i32>} : memref<32x16xf32, #tpu.memory_space<vmem>>, vector<32x16xf32>,
    return
  }
  func.func @transform_0(%arg0: i32) -> (i32, i32) {
    %c0_i32 = arith.constant 0 : i32
    %c0_i32_0 = arith.constant 0 : i32
    return %c0_i32, %arg0 : i32, i32
  }
  func.func @transform_1(%arg0: i32) -> (i32, i32) {
    %c0_i32 = arith.constant 0 : i32
    %c0_i32_0 = arith.constant 0 : i32
    %c0_i32_1 = arith.constant 0 : i32
    return %c0_i32, %c0_i32_0 : i32, i32
  }
}

</mosaic_0001>

<sc_bundles>
// kernel: kernel.5.cloned.1.call-start
scs
__scs_entry_jumppad:
0x0: {  	(pc) =	sbr.rel $0x88, $3  }
0x1: {  	(tag) =	ssettag $0x0;
	lr =	simm.s32 $0x1  }
0x2: {  	[smem:$0x3F9A] =	sst lr;
	_ =	strace $0xD0000000  }
0x3: {  	_ = 	snop  }
0x4: {  	_ = 	snop  }
0x5: {  	_ = 	snop  }
0x6: {  	_ = 	snop  }
0x7: {  	_ = 	snop  }
__scs_overlays_trampoline_lowered:
0x8: {  	[smem:$0x3FA9] =	sst s0  }
0x9: {  	[smem:$0x3FAA] =	sst s1  }
0xa: {  	[smem:$0x3FAB] =	sst s2  }
0xb: {  	[smem:$0x3FAC] =	sst s3  }
0xc: {  	[smem:$0x3FAD] =	sst s4  }
0xd: {  	[smem:$0x3FAE] =	sst s5  }
0xe: {  	[smem:$0x3FAF] =	sst s6  }
0xf: {  	[smem:$0x3FB0] =	sst s7  }
0x10: {  	[smem:$0x3FB1] =	sst s8  }
0x11: {  	[smem:$0x3FB2] =	sst s9;
	s0 =	simm.s32 @!p0 $0x0  }
0x12: {  	s1 =	sld [smem:$0x3F98];
	s0 =	simm.s32 @p0 $0x1  }
0x13: {  	[smem:$0x3FB3] =	sst s0;
	s0 =	simm.s32 @!p1 $0x0  }
0x14: {  	s2 =	sld [smem:$0x3F97];
	s0 =	simm.s32 @p1 $0x1  }
0x15: {  	[smem:$0x3FB4] =	sst s0;
	s0 =	simm.s32 @!p2 $0x0  }
0x16: {  	s3 =	sld [smem:$0x3FDB];
	s0 =	simm.s32 @p2 $0x1  }
0x17: {  	s4 =	simm.s32 $0x1BF5;
	[smem:$0x3FB6] =	sst s0  }
0x18: {  	s0 =	sld [smem:$0x3F99];
	_ =	swait.ge [sflag:s4], $0x0  }
0x19: {  	s7 =	sld [smem:$0x3F9A]  }
0x1a: {  	s8 =	sadd.s32 $0xFFFFE003, lr  }
0x1b: {  	s9 =	sadd.s32 $0xFFFFFEF7, lr;
	s5 =	simm.s32 $0xFFFFFFFF;
	p2 =	slt.u32 s8, $0xFFFFF086  }
0x1c: {  	p1 =	slt.u32 s9, $0xF7A;
	s5 =	simm.s32 @!p2 $0x0  }
0x1d: {  	s5 =	simm.s32 @p1 $0x1;
	p0 =	seq.s32 s7, s2  }
0x1e: {  	s7 =	smul.u32 @!p0 $0xF7A, s2;
	p2 =	seq.s32 @!p0 s5, $0x0  }
0x1f: {  	s9 =	smul.u32 $0xF7A, s1;
	s8 =	simm.s32 @!p0 $0x1BF5;
	p2 =	por !p2, p0  }
0x20: {  	[sflag:s8] =	ssyncset.s32 @!p0 $0xFFFFF086;
	s6 =	sadd.s32 @!p0 s3, s7;
	s7 =	simm.s32 @!p0 $0x108  }
0x21: {  	s3 =	sadd.s32 s3, s9;
	s6 =	sadd.s32 @!p0 $0x88, s6;
	s7 =	simm.s32 @p2 $0x1082  }
0x22: {  	[simem:s7], [sflag:s8] =	dma.local @!p0 [hbm:s6], $0xF7A  }
0x23: {  	s9 =	sor.u32 $0xD0000000, s2;
	s6 =	simm.s32 $0x108;
	_ =	swait.ge @!p0 [sflag:s8], $0x0  }
0x24: {  	s3 =	sadd.s32 $0x88, s3;
	s6 =	simm.s32 @!p1 $0x1082;
	[sflag:s4] =	ssyncset.s32 $0xFFFFF086  }
0x25: {  	[simem:s6], [sflag:s4] =	dma.local [hbm:s3], $0xF7A  }
0x26: {  	[smem:$0x3F9A] =	sst s1;
	(tag) =	ssettag s2;
	_ =	strace s9  }
0x27: {  	s1 =	sld [smem:$0x3FAA]  }
0x28: {  	s2 =	sld [smem:$0x3FAB]  }
0x29: {  	s4 =	sld [smem:$0x3FAD]  }
0x2a: {  	p0 =	seq.s32 s5, $0x0;
	s5 =	sld [smem:$0x3FAE]  }
0x2b: {  	s6 =	sld [smem:$0x3FAF]  }
0x2c: {  	s7 =	sld [smem:$0x3FB0]  }
0x2d: {  	s3 =	simm.s32 $0x108;
	s8 =	sld [smem:$0x3FB1]  }
0x2e: {  	s3 =	simm.s32 @!p0 $0x1082;
	s9 =	sld [smem:$0x3FB2]  }
0x2f: {  	lr =	sadd.s32 s0, s3;
	s0 =	sld [smem:$0x3FA9]  }
0x30: {  	s3 =	sld [smem:$0x3FAC]  }
0x31: {  	[smem:$0x3FB5] =	sst s10  }
0x32: {  	s10 =	sld [smem:$0x3FB3];
	_ =	sdelay $0x3  }
0x33: {  	p0 =	seq.s32 s10, $0x1;
	s10 =	sld [smem:$0x3FB5];
	_ =	sdelay $0x3  }
0x34: {  	[smem:$0x3FB5] =	sst s10  }
0x35: {  	s10 =	sld [smem:$0x3FB4];
	_ =	sdelay $0x3  }
0x36: {  	p1 =	seq.s32 s10, $0x1;
	s10 =	sld [smem:$0x3FB5];
	_ =	sdelay $0x3  }
0x37: {  	[smem:$0x3FB5] =	sst s10  }
0x38: {  	s10 =	sld [smem:$0x3FB6]  }
0x39: {  	_ = 	snop;
	(pc) =	sbr.ind lr, $3  }
0x3a: {  	_ = 	snop  }
0x3b: {  	_ = 	snop  }
0x3c: {  	p2 =	seq.s32 s10, $0x1;
	s10 =	sld [smem:$0x3FB5]  }
0x3d: {  	_ =	shalt  }
0x3e: {  	_ =	shalt  }
0x3f: {  	_ =	shalt  }
0x40: {  	_ =	shalt  }
0x41: {  	_ =	shalt  }
0x42: {  	_ =	shalt  }
0x43: {  	_ =	shalt  }
0x44: {  	_ =	shalt  }
0x45: {  	_ =	shalt  }
0x46: {  	_ =	shalt  }
0x47: {  	_ =	shalt  }
0x48: {  	_ =	shalt  }
0x49: {  	_ =	shalt  }
0x4a: {  	_ =	shalt  }
0x4b: {  	_ =	shalt  }
0x4c: {  	_ =	shalt  }
0x4d: {  	_ =	shalt  }
0x4e: {  	_ =	shalt  }
0x4f: {  	_ =	shalt  }
0x50: {  	_ =	shalt  }
0x51: {  	_ =	shalt  }
0x52: {  	_ =	shalt  }
0x53: {  	_ =	shalt  }
0x54: {  	_ =	shalt  }
0x55: {  	_ =	shalt  }
0x56: {  	_ =	shalt  }
0x57: {  	_ =	shalt  }
0x58: {  	_ =	shalt  }
0x59: {  	_ =	shalt  }
0x5a: {  	_ =	shalt  }
0x5b: {  	_ =	shalt  }
0x5c: {  	_ =	shalt  }
0x5d: {  	_ =	shalt  }
0x5e: {  	_ =	shalt  }
0x5f: {  	_ =	shalt  }
0x60: {  	_ =	shalt  }
0x61: {  	_ =	shalt  }
0x62: {  	_ =	shalt  }
0x63: {  	_ =	shalt  }
0x64: {  	_ =	shalt  }
0x65: {  	_ =	shalt  }
0x66: {  	_ =	shalt  }
0x67: {  	_ =	shalt  }
0x68: {  	_ =	shalt  }
0x69: {  	_ =	shalt  }
0x6a: {  	_ =	shalt  }
0x6b: {  	_ =	shalt  }
0x6c: {  	_ =	shalt  }
0x6d: {  	_ =	shalt  }
0x6e: {  	_ =	shalt  }
0x6f: {  	_ =	shalt  }
0x70: {  	_ =	shalt  }
0x71: {  	_ =	shalt  }
0x72: {  	_ =	shalt  }
0x73: {  	_ =	shalt  }
0x74: {  	_ =	shalt  }
0x75: {  	_ =	shalt  }
0x76: {  	_ =	shalt  }
0x77: {  	_ =	shalt  }
0x78: {  	_ =	shalt  }
0x79: {  	_ =	shalt  }
0x7a: {  	_ =	shalt  }
0x7b: {  	_ =	shalt  }
0x7c: {  	_ =	shalt  }
0x7d: {  	_ =	shalt  }
0x7e: {  	_ =	shalt  }
0x7f: {  	_ =	shalt  }
0x80: {  	_ =	shalt  }
0x81: {  	_ =	shalt  }
0x82: {  	_ =	shalt  }
0x83: {  	_ =	shalt  }
0x84: {  	_ =	shalt  }
0x85: {  	_ =	shalt  }
0x86: {  	_ =	shalt  }
0x87: {  	_ =	shalt  }
.Lfunc_end0:
.L_simem_size_0:
called_computation_lowered:
.L_overlay_start_0:
0x88: {  	s2 =	sld [smem:$0x3FD9]  }
0x89: {  	s3 =	sld [smem:$0x3FFE];
	_ =	sdelay $0x1  }
0x8a: {  	s1 =	srdreg.scid  }
0x8b: {  	s0 =	sand.u32 $0x1, s1  }
0x8c: {  	s17 =	sshll.u32 s0, $0xA;
	s2 =	sadd.s32 s3, s2  }
0x8d: {  	s2 =	sadd.s32 s2, s17  }
0x8e: {  	[smem:$0x3FC1] =	sst s2  }
0x8f: {  	_ = 	snop  }
0x90: {  	s2 =	sld [smem:$0x3FC9];
	(tm) =	ssettm $0x1  }
0x91: {  	s18 =	sld [smem:$0x3FFB];
	_ =	sdelay $0x3  }
0x92: {  	_ =	strace s18  }
0x93: {  	s3 =	sld [smem:$0x3FFC];
	_ =	sdelay $0x3  }
0x94: {  	_ =	strace s3  }
0x95: {  	s3 =	sld [smem:$0x3FFD];
	_ =	sdelay $0x3  }
0x96: {  	_ =	strace s3  }
0x97: {  	_ =	strace $0x8FFFFFFF  }
0x98: {  	s19 =	sld [smem:$0x3FDB];
	_ =	sdelay $0x1  }
0x99: {  	s4 =	simm.s32 $_scs_section_size  }
0x9a: {  	s5 =	simm.s32 $_size__tile_overlayer_lowered;
	s6 =	simm.s32 $_tile_overlayer_lowered  }
0x9b: {  	s22 =	simm.s32 $0x1BFF;
	s21 =	sshll.u32 s6, $0x1;
	s3 =	sadd.s32 s4, s19  }
0x9c: {  	s7 =	simm.s32 $0x0;
	s20 =	sshll.u32 s5, $0x1;
	s5 =	sadd.s32 s21, s3  }
0x9d: {  	[timem:s7], [sflag:s22] =	dma.local [hbm:s5], s20  }
0x9e: {  	_ =	swait.ge [sflag:s22], s20  }
0x9f: {  	s4 =	ssub.s32 $0x0, s20;
	[sflag:s22] =	ssyncset.done $0x0  }
0xa0: {  	[sflag:s22] =	ssyncadd.s32 s4;
	_ =	sdelay $0x1  }
0xa1: {  	s23 =	simm.s32 $0x1B8B  }
0xa2: {  	_ =	swait.ge [sflag:s23], $0x1  }
0xa3: {  	[sflag:s23] =	ssyncset.done $0x0  }
0xa4: {  	s25 =	simm.s32 $0x1B8E;
	s24 =	sld [smem:$0x3FFE];
	[sflag:s23] =	ssyncadd.s32 $0xFFFFFFFF  }
0xa5: {  	s26 =	simm.s32 $execute0_lowered;
	[smem:$0x3FD2] =	sst s25  }
0xa6: {  	s5 =	sshll.u32 s26, $0x1;
	_ =	strace $0x80000046;
	[dreg:$0x1] =	wrdreg $0xFFFFFFFF  }
0xa7: {  	s28 =	simm.s32 $_size_execute0_lowered;
	s3 =	sadd.s32 s3, s5;
	[dreg:$0x0] =	wrdreg $0x0  }
0xa8: {  	s5 =	sshll.u32 s28, $0x1;
	[dreg:$0x2] =	wrdreg s3  }
0xa9: {  	[dreg:$0x3] =	wrdreg s5  }
0xaa: {  	[dreg:$0x4] =	wrdreg $0xC0  }
0xab: {  	_ =	task [dreg:s7], $0x5FFFF  }
0xac: {  	[dreg:$0x1] =	wrdreg $0xFFFFFFFF  }
0xad: {  	[dreg:$0x0] =	wrdreg $0x60  }
0xae: {  	[dreg:$0x2] =	wrdreg s2  }
0xaf: {  	[dreg:$0x3] =	wrdreg s24  }
0xb0: {  	[dreg:$0x4] =	wrdreg $0xA2000  }
0xb1: {  	[dreg:$0x5] =	wrdreg $0x9  }
0xb2: {  	_ =	task.clear_ibuf [dreg:s7], $0x6FFFF;
	_ =	strace $0x90000046  }
0xb3: {  	s29 =	simm.s32 $0x9;
	_ =	strace $0x80000048  }
0xb4: {  	_ =	swait.ge [sflag:s29], $0x1  }
0xb5: {  	[sflag:s29] =	ssyncadd.s32 $0xFFFFFFFF  }
0xb6: {  	_ =	strace $0x90000048  }
0xb7: {  	_ =	sfence  }
0xb8: {  	s30 =	sld [smem:$0x0];
	_ =	sdelay $0x2  }
0xb9: {  	s31 =	sshll.u32 s1, $0xD;
	s1 =	sshrl.u32 s1, $0x2  }
0xba: {  	s3 =	sand.u32 $0x4000, s31;
	s1 =	sadd.s32 s1, s30  }
0xbb: {  	s0 =	sor.u32 s3, s0;
	s1 =	sshll.u32 s1, $0x11  }
0xbc: {  	s0 =	sor.u32 s1, s0  }
0xbd: {  	s0 =	sadd.s32 $0x8F2B, s0  }
0xbe: {  	[sflag:s0] =	ssyncadd.remote.s32 $0x1  }
0xbf: {  	_ =	sfence.sel $0xFFFF  }
0xc0: {  	[dreg:$0x0] =	wrdreg $0xFFFFFFFF;
	(pc) =	sbr.abs _section_cstart, $3  }
0xc1: {  	[dreg:$0x1] =	wrdreg $0xFFFFFFFF  }
0xc2: {  	_ =	task.clear_ibuf [dreg:s7], $0x2FFFF;
	_ =	strace $0x9FFFFFFF  }
0xc3: {  	(tm) =	ssettm $0x7FFFFFFF  }
tec
execute0_lowered:
.L_overlay_start_1:
0x0: {  	(tag) =	ssettag $0x1  }
0x1: {  	s1 =	rddreg [dreg:$0x0]  }
0x2: {  	s5 =	rddreg [dreg:$0x1]  }
0x3: {  	s2 =	rddreg [dreg:$0x2]  }
0x4: {  	s19 =	stileid.u32;
	s0 =	srdreg.scid  }
0x5: {  	s3 =	simm.s32 $0x0;
	s6 =	smul.u32 $0x1400, s19;
	s4 =	sand.u32 $0x1, s0  }
0x6: {  	[smem:$0x7FF] =	sst s3;
	s0 =	sadd.s32 $0x1000, s5;
	s10 =	smul.u32 $0x5000, s19  }
0x7: {  	s21 =	sshll.u32 s19, $0x1;
	s23 =	sshll.u32 s19, $0x6;
	p0 =	seq.s32 s19, $0x0  }
0x8: {  	s7 =	smul.u32 $0x14000, s4;
	_ =	strace $0x80000047;
	s20 =	ssub.s32 $0x2, s4  }
0x9: {  	s11 =	sor.u32 s4, s21;
	s8 =	sshrl.u32 s6, $0x3;
	s9 =	sshrl.u32 s20, $0x1  }
0xa: {  	s22 =	sshrl.u32 s10, $0x2;
	s25 =	sshll.u32 s11, $0x7;
	s26 =	sor.u32 $0x20, s11  }
0xb: {  	s18 =	sshll.u32 s11, $0x4;
	s13 =	smul.u32 $0x500, s11;
	s28 =	sor.u32 $0x40, s11  }
0xc: {  	s16 =	sor.u32 $0x60, s11;
	s8 =	sadd.s32 s8, s5;
	s6 =	sadd.s32 s6, s7  }
0xd: {  	s9 =	ssub.s32 s20, s9;
	s7 =	simm.s32 $0x28;
	s12 =	sshll.u32 s26, $0x7  }
0xe: {  	s14 =	sadd.s32 s0, s18;
	s29 =	smul.u32 $0x500, s26;
	s15 =	sshll.u32 s28, $0x7  }
0xf: {  	s11 =	sshll.u32 s16, $0x7;
	s20 =	smul.u32 $0x500, s16;
	s26 =	sor.u32 $0xE00, s18  }
0x10: {  	s6 =	sshrl.u32 s6, $0x3;
	s24 =	sadd.s32 $0x6200, s8;
	s8 =	sand.u32 $0x380, s25  }
0x11: {  	s12 =	sand.u32 $0x1C00, s12;
	s7 =	simm.s32 @!p0 $0x27;
	[dreg:$0x9] =	wrdreg s14  }
0x12: {  	s13 =	sadd.s32 s1, s13;
	s31 =	sand.u32 $0x2C00, s15;
	s15 =	sand.u32 $0x3C00, s11  }
0x13: {  	s25 =	smul.u32 $0x500, s4;
	s4 =	sshll.u32 s4, $0x4;
	s5 =	sadd.s32 s6, s5  }
0x14: {  	s6 =	sadd.s32 s22, s2;
	[dreg:$0x8] =	wrdreg s24;
	s12 =	sor.u32 s8, s12  }
0x15: {  	[dreg:$0xa] =	wrdreg s13;
	s14 =	sadd.s32 s1, s29;
	s13 =	smul.u32 $0x500, s28  }
0x16: {  	s22 =	sadd.s32 $0xFFFFFFFF, s7;
	s24 =	sadd.s32 $0xFFFFFFFD, s7;
	[dreg:$0x7] =	wrdreg s6  }
0x17: {  	s29 =	sor.u32 $0xC00, s18;
	s6 =	sor.u32 $0x1C05, s23;
	[dreg:$0xc] =	wrdreg s14  }
0x18: {  	s12 =	sshrl.u32 s12, $0x3;
	[dreg:$0x4] =	wrdreg s22;
	s23 =	sadd.s32 $0xFFFFFFFE, s7  }
0x19: {  	[dreg:$0x6] =	wrdreg s24;
	s16 =	sadd.s32 $0x8A00, s5;
	s30 =	sadd.s32 s0, s12  }
0x1a: {  	s12 =	sor.u32 s8, s31;
	s8 =	sor.u32 s8, s15;
	s21 =	sadd.s32 s1, s13  }
0x1b: {  	s15 =	sadd.s32 s1, s20;
	[dreg:$0x5] =	wrdreg s23;
	s31 =	sor.u32 $0x800, s18  }
0x1c: {  	s23 =	simm.s32 $0x5;
	[dreg:$0xb] =	wrdreg s30;
	s12 =	sshrl.u32 s12, $0x3  }
0x1d: {  	s8 =	sshrl.u32 s8, $0x3;
	[dreg:$0xe] =	wrdreg s21;
	s30 =	sor.u32 $0xA00, s18  }
0x1e: {  	s17 =	sadd.s32 s0, s12;
	s14 =	sadd.s32 s0, s8;
	s8 =	sand.u32 $0xF80, s26  }
0x1f: {  	s5 =	sand.u32 $0xB80, s30;
	[dreg:$0xd] =	wrdreg s17;
	s17 =	smul.u32 $0xA00, s19  }
0x20: {  	s19 =	sshll.u32 s19, $0x5;
	s28 =	sadd.s32 s8, s0;
	s8 =	sand.u32 $0x980, s31  }
0x21: {  	s5 =	sadd.s32 s5, s0;
	s4 =	sor.u32 s4, s19;
	s1 =	sadd.s32 s17, s1  }
0x22: {  	s4 =	sand.u32 $0x70, s4;
	s17 =	smax.u32 s9, $0x1;
	s1 =	sadd.s32 s25, s1  }
0x23: {  	s26 =	sadd.s32 s4, s28;
	s25 =	sadd.s32 $0x46000, s1;
	s1 =	sand.u32 $0xD80, s29  }
0x24: {  	s21 =	sadd.s32 s4, s5;
	s1 =	sadd.s32 s1, s0;
	s0 =	sadd.s32 s8, s0  }
0x25: {  	s20 =	sadd.s32 s4, s1;
	s22 =	sadd.s32 s4, s0;
	s0 =	simm.s32 $0x0  }
.LBB2_1:
0x26: {  	s1 =	rddreg [dreg:$0x7]  }
0x27: {  	s4 =	rddreg [dreg:$0x8];
	s1 =	sshrl.u32 s1, $0x3  }
0x28: {  	[spmem:s1], [sflag:s6] =	dma.local [hbm:s4], $0x280  }
0x29: {  	_ =	swait.ge [sflag:s23], $0x280  }
0x2a: {  	[sflag:s23] =	ssyncset.done $0x0  }
0x2b: {  	[sflag:s23] =	ssyncadd.s32 $0xFFFFFD80  }
0x2c: {  	[bflag:$0x0] =	sbarrier.arrive $0xFFFF  }
0x2d: {  	s11 =	rddreg [dreg:$0x9]  }
0x2e: {  	[tilespmem:s3], [sflag:$0x1] =	stream.linear.gather [hbm4b:s11+s3], $0x80, $0x38;
	[tilespmem:$0xB600] =	vst v63  }
0x2f: {  	s5 =	simm.s32 $0x200;
	s12 =	rddreg [dreg:$0xa]  }
0x30: {  	[tilespmem:s5], [sflag:$0x1] =	stream.linear.gather [hbm4b:s12+s3], $0x2800, $0x38;
	[tilespmem:$0xB600] =	vst v63  }
0x31: {  	s18 =	simm.s32 $0x80;
	s13 =	rddreg [dreg:$0xb]  }
0x32: {  	[tilespmem:s18], [sflag:$0x2] =	stream.linear.gather [hbm4b:s13+s3], $0x80, $0x38;
	[tilespmem:$0xB600] =	vst v63  }
0x33: {  	s24 =	simm.s32 $0x2A00;
	s19 =	rddreg [dreg:$0xc]  }
0x34: {  	[tilespmem:s24], [sflag:$0x2] =	stream.linear.gather [hbm4b:s19+s3], $0x2800, $0x38;
	[tilespmem:$0xB600] =	vst v63  }
0x35: {  	s8 =	simm.s32 $0x100;
	s5 =	rddreg [dreg:$0xd]  }
0x36: {  	[tilespmem:s8], [sflag:$0x3] =	stream.linear.gather [hbm4b:s5+s3], $0x80, $0x38;
	[tilespmem:$0xB600] =	vst v63  }
0x37: {  	s10 =	simm.s32 $0x5200;
	s9 =	rddreg [dreg:$0xe]  }
0x38: {  	[tilespmem:s10], [sflag:$0x3] =	stream.linear.gather [hbm4b:s9+s3], $0x2800, $0x38;
	[tilespmem:$0xB600] =	vst v63  }
0x39: {  	p0 =	sle.u32 s7, $0x0;
	s11 =	simm.s32 $0x180  }
0x3a: {  	[tilespmem:s11], [sflag:$0x4] =	stream.linear.gather [hbm4b:s14+s3], $0x80, $0x38;
	[tilespmem:$0xB600] =	vst v63  }
0x3b: {  	s4 =	simm.s32 @!p0 $0x1;
	s12 =	simm.s32 $0x7A00  }
0x3c: {  	[tilespmem:s12], [sflag:$0x4] =	stream.linear.gather [hbm4b:s15+s3], $0x2800, $0x38;
	[tilespmem:$0xB600] =	vst v63  }
0x3d: {  	_ =	swait.ge @!p0 [sflag:s4], $0x80  }
0x3e: {  	[sflag:s4] =	ssyncset.done @!p0 $0x0  }
0x3f: {  	[sflag:s4] =	ssyncadd.s32 @!p0 $0xFFFFFF80  }
0x40: {  	_ =	swait.ge @!p0 [sflag:s4], $0x2800  }
0x41: {  	s5 =	simm.s32 @!p0 $0x200;
	s8 =	simm.s32 @!p0 $0x5;
	[sflag:s4] =	ssyncset.done @!p0 $0x0  }
0x42: {  	s9 =	simm.s32 @!p0 $0x0;
	[sflag:s4] =	ssyncadd.s32 @!p0 $0xFFFFD800;
	s4 =	simm.s32 @!p0 $0x50  }
0x43: {  	[spmem:s2] =	stream.indirect.scatter.add.f32 @!p0 [tilespmem:s5], [sflag:$0x5], $0x80, s9, s4, $0xb8;
	[tilespmem:$0xB600] =	vst v63  }
0x44: {  	p1 =	sle.u32 @!p0 s7, $0x4;
	_ =	swait.ge @!p0 [sflag:s8], $0x2800  }
0x45: {  	p1 =	por p1, p0;
	[sflag:s8] =	ssyncset.done @!p0 $0x0;
	s13 =	rddreg [dreg:$0x4]  }
0x46: {  	s5 =	simm.s32 @!p1 $0x0;
	[sflag:s8] =	ssyncadd.s32 @!p0 $0xFFFFD800;
	p0 =	sle.u32 s13, $0x0  }
0x47: {  	[tilespmem:s5], [sflag:$0x1] =	stream.linear.gather @!p1 [hbm4b:s22+s5], $0x80, $0x38;
	[tilespmem:$0xB600] =	vst v63  }
0x48: {  	s9 =	simm.s32 @!p1 $0x200;
	s8 =	sadd.s32 @!p1 $0xFFFE2000, s25;
	s4 =	simm.s32 @!p0 $0x2  }
0x49: {  	[tilespmem:s9], [sflag:$0x1] =	stream.linear.gather @!p1 [hbm4b:s8+s5], $0x2800, $0x38;
	[tilespmem:$0xB600] =	vst v63  }
0x4a: {  	_ =	swait.ge @!p0 [sflag:s4], $0x80  }
0x4b: {  	[sflag:s4] =	ssyncset.done @!p0 $0x0  }
0x4c: {  	[sflag:s4] =	ssyncadd.s32 @!p0 $0xFFFFFF80  }
0x4d: {  	s5 =	simm.s32 @!p0 $0x2A00;
	_ =	swait.ge @!p0 [sflag:s4], $0x2800  }
0x4e: {  	s8 =	simm.s32 @!p0 $0x5;
	s9 =	simm.s32 @!p0 $0x80;
	[sflag:s4] =	ssyncset.done @!p0 $0x0  }
0x4f: {  	p1 =	sle.u32 @!p0 s7, $0x5;
	[sflag:s4] =	ssyncadd.s32 @!p0 $0xFFFFD800;
	s4 =	simm.s32 @!p0 $0x50  }
0x50: {  	[spmem:s2] =	stream.indirect.scatter.add.f32 @!p0 [tilespmem:s5], [sflag:$0x5], $0x80, s9, s4, $0xb8;
	[tilespmem:$0xB600] =	vst v63  }
0x51: {  	p1 =	por p1, p0;
	_ =	swait.ge @!p0 [sflag:s8], $0x2800  }
0x52: {  	s5 =	simm.s32 @!p1 $0x0;
	[sflag:s8] =	ssyncset.done @!p0 $0x0;
	s18 =	rddreg [dreg:$0x5]  }
0x53: {  	[sflag:s8] =	ssyncadd.s32 @!p0 $0xFFFFD800;
	s8 =	simm.s32 @!p1 $0x80;
	p0 =	sle.u32 s18, $0x0  }
0x54: {  	[tilespmem:s8], [sflag:$0x2] =	stream.linear.gather @!p1 [hbm4b:s21+s5], $0x80, $0x38;
	[tilespmem:$0xB600] =	vst v63  }
0x55: {  	s9 =	simm.s32 @!p1 $0x2A00;
	s8 =	sadd.s32 @!p1 $0xFFFEC000, s25;
	s4 =	simm.s32 @!p0 $0x3  }
0x56: {  	[tilespmem:s9], [sflag:$0x2] =	stream.linear.gather @!p1 [hbm4b:s8+s5], $0x2800, $0x38;
	[tilespmem:$0xB600] =	vst v63  }
0x57: {  	_ =	swait.ge @!p0 [sflag:s4], $0x80  }
0x58: {  	[sflag:s4] =	ssyncset.done @!p0 $0x0  }
0x59: {  	[sflag:s4] =	ssyncadd.s32 @!p0 $0xFFFFFF80  }
0x5a: {  	s28 =	sadd.s32 $0x800, s22;
	s5 =	simm.s32 @!p0 $0x5200;
	_ =	swait.ge @!p0 [sflag:s4], $0x2800  }
0x5b: {  	s8 =	simm.s32 @!p0 $0x5;
	s9 =	simm.s32 @!p0 $0x100;
	[sflag:s4] =	ssyncset.done @!p0 $0x0  }
0x5c: {  	p1 =	sle.u32 @!p0 s7, $0x6;
	[sflag:s4] =	ssyncadd.s32 @!p0 $0xFFFFD800;
	s4 =	simm.s32 @!p0 $0x50  }
0x5d: {  	[spmem:s2] =	stream.indirect.scatter.add.f32 @!p0 [tilespmem:s5], [sflag:$0x5], $0x80, s9, s4, $0xb8;
	[tilespmem:$0xB600] =	vst v63  }
0x5e: {  	s29 =	sadd.s32 $0x800, s20;
	p2 =	por p1, p0;
	_ =	swait.ge @!p0 [sflag:s8], $0x2800  }
0x5f: {  	s30 =	sadd.s32 $0x800, s21;
	s5 =	simm.s32 @!p2 $0x0;
	[sflag:s8] =	ssyncset.done @!p0 $0x0  }
0x60: {  	s19 =	rddreg [dreg:$0x6];
	[sflag:s8] =	ssyncadd.s32 @!p0 $0xFFFFD800;
	s8 =	simm.s32 @!p2 $0x100  }
0x61: {  	[tilespmem:s8], [sflag:$0x3] =	stream.linear.gather @!p2 [hbm4b:s20+s5], $0x80, $0x38;
	[tilespmem:$0xB600] =	vst v63  }
0x62: {  	s9 =	simm.s32 @!p2 $0x5200;
	p1 =	sle.u32 s19, $0x0;
	s8 =	sadd.s32 @!p2 $0xFFFF6000, s25  }
0x63: {  	[tilespmem:s9], [sflag:$0x3] =	stream.linear.gather @!p2 [hbm4b:s8+s5], $0x2800, $0x38;
	[tilespmem:$0xB600] =	vst v63  }
0x64: {  	s31 =	sadd.s32 $0x28000, s25;
	s24 =	simm.s32 $0xB;
	s9 =	simm.s32 @!p1 $0x4  }
0x65: {  	s18 =	smov.u32 s25;
	s4 =	sadd.s32 $0x800, s26;
	_ =	swait.ge @!p1 [sflag:s9], $0x80  }
0x66: {  	s19 =	smov.u32 s26;
	p2 =	sle.u32 @!p1 s7, $0x7;
	[sflag:s9] =	ssyncset.done @!p1 $0x0  }
.LBB2_2:
0x67: {  	[sflag:s9] =	ssyncadd.s32 @!p1 $0xFFFFFF80  }
0x68: {  	s10 =	simm.s32 @!p1 $0x7A00;
	_ =	swait.ge @!p1 [sflag:s9], $0x2800  }
0x69: {  	s5 =	smov.u32 s24;
	s11 =	simm.s32 @!p1 $0x180;
	[sflag:s9] =	ssyncset.done @!p1 $0x0  }
0x6a: {  	s12 =	simm.s32 @!p1 $0x50;
	[sflag:s9] =	ssyncadd.s32 @!p1 $0xFFFFD800;
	s9 =	simm.s32 @!p1 $0x5  }
0x6b: {  	[spmem:s2] =	stream.indirect.scatter.add.f32 @!p1 [tilespmem:s10], [sflag:$0x5], $0x80, s11, s12, $0xb8;
	[tilespmem:$0xB600] =	vst v63  }
0x6c: {  	s8 =	sadd.s32 $0xFFFFFFF9, s5;
	_ =	swait.ge @!p1 [sflag:s9], $0x2800  }
0x6d: {  	p2 =	por p2, p1;
	p3 =	sge.u32 s8, s7;
	[sflag:s9] =	ssyncset.done @!p1 $0x0  }
0x6e: {  	s10 =	simm.s32 @!p2 $0x0;
	s11 =	simm.s32 @!p2 $0x180;
	[sflag:s9] =	ssyncadd.s32 @!p1 $0xFFFFD800  }
0x6f: {  	[tilespmem:s11], [sflag:$0x4] =	stream.linear.gather @!p2 [hbm4b:s19+s10], $0x80, $0x38;
	[tilespmem:$0xB600] =	vst v63  }
0x70: {  	s9 =	simm.s32 @!p2 $0x7A00;
	s11 =	simm.s32 @!p3 $0x1  }
0x71: {  	[tilespmem:s9], [sflag:$0x4] =	stream.linear.gather @!p2 [hbm4b:s18+s10], $0x2800, $0x38;
	[tilespmem:$0xB600] =	vst v63  }
0x72: {  	_ =	swait.ge @!p3 [sflag:s11], $0x80  }
0x73: {  	[sflag:s11] =	ssyncset.done @!p3 $0x0  }
0x74: {  	[sflag:s11] =	ssyncadd.s32 @!p3 $0xFFFFFF80  }
0x75: {  	s13 =	sadd.s32 @!p3 $0xFFFFFFFD, s5;
	_ =	swait.ge @!p3 [sflag:s11], $0x2800  }
0x76: {  	s12 =	simm.s32 @!p3 $0x0;
	s9 =	simm.s32 @!p3 $0x200;
	[sflag:s11] =	ssyncset.done @!p3 $0x0  }
0x77: {  	s10 =	simm.s32 @!p3 $0x5;
	[sflag:s11] =	ssyncadd.s32 @!p3 $0xFFFFD800;
	s11 =	simm.s32 @!p3 $0x50  }
0x78: {  	[spmem:s2] =	stream.indirect.scatter.add.f32 @!p3 [tilespmem:s9], [sflag:$0x5], $0x80, s12, s11, $0xb8;
	[tilespmem:$0xB600] =	vst v63  }
0x79: {  	p4 =	sge.u32 @!p3 s13, s7;
	_ =	swait.ge @!p3 [sflag:s10], $0x2800  }
0x7a: {  	p2 =	por p4, p3;
	[sflag:s10] =	ssyncset.done @!p3 $0x0;
	s13 =	rddreg [dreg:$0x4]  }
0x7b: {  	[sflag:s10] =	ssyncadd.s32 @!p3 $0xFFFFD800;
	s10 =	simm.s32 @!p2 $0x0;
	p1 =	sge.u32 s8, s13  }
0x7c: {  	[tilespmem:s10], [sflag:$0x1] =	stream.linear.gather @!p2 [hbm4b:s28+s10], $0x80, $0x38;
	[tilespmem:$0xB600] =	vst v63  }
0x7d: {  	s11 =	sadd.s32 @!p2 $0xFFFE2000, s31;
	s12 =	simm.s32 @!p2 $0x200;
	s9 =	simm.s32 @!p1 $0x2  }
0x7e: {  	[tilespmem:s12], [sflag:$0x1] =	stream.linear.gather @!p2 [hbm4b:s11+s10], $0x2800, $0x38;
	[tilespmem:$0xB600] =	vst v63  }
0x7f: {  	_ =	swait.ge @!p1 [sflag:s9], $0x80  }
0x80: {  	[sflag:s9] =	ssyncset.done @!p1 $0x0  }
0x81: {  	[sflag:s9] =	ssyncadd.s32 @!p1 $0xFFFFFF80  }
0x82: {  	s10 =	sadd.s32 @!p1 $0xFFFFFFFE, s5;
	s11 =	simm.s32 @!p1 $0x5;
	_ =	swait.ge @!p1 [sflag:s9], $0x2800  }
0x83: {  	s12 =	simm.s32 @!p1 $0x80;
	p2 =	sge.u32 @!p1 s10, s7;
	[sflag:s9] =	ssyncset.done @!p1 $0x0  }
0x84: {  	s10 =	simm.s32 @!p1 $0x2A00;
	[sflag:s9] =	ssyncadd.s32 @!p1 $0xFFFFD800;
	s9 =	simm.s32 @!p1 $0x50  }
0x85: {  	[spmem:s2] =	stream.indirect.scatter.add.f32 @!p1 [tilespmem:s10], [sflag:$0x5], $0x80, s12, s9, $0xb8;
	[tilespmem:$0xB600] =	vst v63  }
0x86: {  	p2 =	por p2, p1;
	_ =	swait.ge @!p1 [sflag:s11], $0x2800  }
0x87: {  	s10 =	simm.s32 @!p2 $0x0;
	[sflag:s11] =	ssyncset.done @!p1 $0x0;
	s13 =	rddreg [dreg:$0x5]  }
0x88: {  	[sflag:s11] =	ssyncadd.s32 @!p1 $0xFFFFD800;
	s11 =	simm.s32 @!p2 $0x80;
	p1 =	sge.u32 s8, s13  }
0x89: {  	[tilespmem:s11], [sflag:$0x2] =	stream.linear.gather @!p2 [hbm4b:s30+s10], $0x80, $0x38;
	[tilespmem:$0xB600] =	vst v63  }
0x8a: {  	s12 =	simm.s32 @!p2 $0x2A00;
	s11 =	sadd.s32 @!p2 $0xFFFEC000, s31;
	s9 =	simm.s32 @!p1 $0x3  }
0x8b: {  	[tilespmem:s12], [sflag:$0x2] =	stream.linear.gather @!p2 [hbm4b:s11+s10], $0x2800, $0x38;
	[tilespmem:$0xB600] =	vst v63  }
0x8c: {  	_ =	swait.ge @!p1 [sflag:s9], $0x80  }
0x8d: {  	s24 =	sadd.s32 $0x4, s24;
	[sflag:s9] =	ssyncset.done @!p1 $0x0  }
0x8e: {  	p0 =	sne.s32 s24, $0x2F;
	s19 =	smov.u32 s4;
	[sflag:s9] =	ssyncadd.s32 @!p1 $0xFFFFFF80  }
0x8f: {  	s10 =	sadd.s32 @!p1 $0xFFFFFFFF, s5;
	s11 =	simm.s32 @!p1 $0x5;
	_ =	swait.ge @!p1 [sflag:s9], $0x2800  }
0x90: {  	s12 =	simm.s32 @!p1 $0x100;
	p2 =	sge.u32 @!p1 s10, s7;
	[sflag:s9] =	ssyncset.done @!p1 $0x0  }
0x91: {  	s10 =	simm.s32 @!p1 $0x5200;
	[sflag:s9] =	ssyncadd.s32 @!p1 $0xFFFFD800;
	s9 =	simm.s32 @!p1 $0x50  }
0x92: {  	[spmem:s2] =	stream.indirect.scatter.add.f32 @!p1 [tilespmem:s10], [sflag:$0x5], $0x80, s12, s9, $0xb8;
	[tilespmem:$0xB600] =	vst v63  }
0x93: {  	s4 =	sadd.s32 $0x800, s4;
	p2 =	por p2, p1;
	_ =	swait.ge @!p1 [sflag:s11], $0x2800  }
0x94: {  	s18 =	smov.u32 s31;
	s10 =	simm.s32 @!p2 $0x0;
	[sflag:s11] =	ssyncset.done @!p1 $0x0  }
0x95: {  	s13 =	rddreg [dreg:$0x6];
	[sflag:s11] =	ssyncadd.s32 @!p1 $0xFFFFD800;
	s11 =	simm.s32 @!p2 $0x100  }
0x96: {  	[tilespmem:s11], [sflag:$0x3] =	stream.linear.gather @!p2 [hbm4b:s29+s10], $0x80, $0x38;
	[tilespmem:$0xB600] =	vst v63  }
.Ltmp0:
0x97: {  	s28 =	sadd.s32 $0x800, s28;
	p1 =	sge.u32 s8, s13;
	(pc) =	sbr.rel @p0 .LBB2_2-.Ltmp0, $4  }
0x98: {  	s12 =	simm.s32 @!p2 $0x5200;
	s11 =	sadd.s32 @!p2 $0xFFFF6000, s31;
	s9 =	simm.s32 @!p1 $0x4  }
0x99: {  	[tilespmem:s12], [sflag:$0x3] =	stream.linear.gather @!p2 [hbm4b:s11+s10], $0x2800, $0x38;
	[tilespmem:$0xB600] =	vst v63  }
0x9a: {  	s30 =	sadd.s32 $0x800, s30;
	s29 =	sadd.s32 $0x800, s29;
	_ =	swait.ge @!p1 [sflag:s9], $0x80  }
0x9b: {  	s31 =	sadd.s32 $0x28000, s31;
	p2 =	sge.u32 @!p1 s5, s7;
	[sflag:s9] =	ssyncset.done @!p1 $0x0  }
0x9c: {  	[sflag:s9] =	ssyncadd.s32 @!p1 $0xFFFFFF80  }
0x9d: {  	_ =	swait.ge @!p1 [sflag:s9], $0x2800  }
0x9e: {  	s4 =	simm.s32 @!p1 $0x7A00;
	s5 =	simm.s32 @!p1 $0x180;
	[sflag:s9] =	ssyncset.done @!p1 $0x0  }
0x9f: {  	s8 =	simm.s32 @!p1 $0x50;
	[sflag:s9] =	ssyncadd.s32 @!p1 $0xFFFFD800;
	s9 =	simm.s32 @!p1 $0x5  }
0xa0: {  	[spmem:s2] =	stream.indirect.scatter.add.f32 @!p1 [tilespmem:s4], [sflag:$0x5], $0x80, s5, s8, $0xb8;
	[tilespmem:$0xB600] =	vst v63  }
0xa1: {  	_ =	swait.ge @!p1 [sflag:s9], $0x2800  }
0xa2: {  	p0 =	por p2, p1;
	[sflag:s9] =	ssyncset.done @!p1 $0x0  }
0xa3: {  	s4 =	simm.s32 @!p0 $0x0;
	s5 =	simm.s32 @!p0 $0x180;
	[sflag:s9] =	ssyncadd.s32 @!p1 $0xFFFFD800  }
0xa4: {  	[tilespmem:s5], [sflag:$0x4] =	stream.linear.gather @!p0 [hbm4b:s19+s4], $0x80, $0x38;
	[tilespmem:$0xB600] =	vst v63  }
0xa5: {  	s0 =	sadd.s32 $0x1, s0;
	s5 =	simm.s32 @!p0 $0x7A00  }
0xa6: {  	[tilespmem:s5], [sflag:$0x4] =	stream.linear.gather @!p0 [hbm4b:s18+s4], $0x2800, $0x38;
	[tilespmem:$0xB600] =	vst v63  }
0xa7: {  	p0 =	sne.s32 s0, s17  }
.Ltmp1:
0xa8: {  	[bflag:$0x0] =	sbarrier.arrive $0xFFFF;
	(pc) =	sbr.rel @p0 .LBB2_1-.Ltmp1, $4  }
0xa9: {  	[hbm:s16], [sflag:s6] =	dma.local [spmem:s1], $0x280  }
0xaa: {  	_ =	swait.ge [sflag:s23], $0x280  }
0xab: {  	[sflag:s23] =	ssyncset.done $0x0  }
0xac: {  	[sflag:s23] =	ssyncadd.s32 $0xFFFFFD80  }
0xad: {  	_ =	sfence.sel $0x180000  }
0xae: {  	[bflag:$0x0] =	sbarrier.arrive $0xFFFF  }
0xaf: {  	_ =	strace $0x90000047  }
0xb0: {  	s0 =	stileid.u32;
	[bflag:$0x2] =	sbarrier.arrive $0xFFFF  }
0xb1: {  	p0 =	sne.s32 s0, $0x0;
	s0 =	rddreg [dreg:$0x3]  }
0xb2: {  	s0 =	sadd.s32 @!p0 $0x100000, s0  }
0xb3: {  	[sflag:s0] =	ssyncadd.tile.s32 @!p0 $0x1;
	_ =	shalt  }
.Lfunc_end2:
_tile_overlayer_lowered:
.L_overlay_start_2:
0xb4: {  	(tag) =	ssettag $0x2  }
0xb5: {  	s0 =	rddreg [dreg:$0x0];
	s2 =	stileid.u32  }
0xb6: {  	s1 =	rddreg [dreg:$0x1];
	p0 =	sne.s32 s2, $0x0  }
0xb7: {  	s3 =	rddreg [dreg:$0x2];
	[bflag:$0x3] =	sbarrier.arrive $0xFFFF;
	s2 =	simm.s32 @!p0 $0x1C05  }
0xb8: {  	[timem:s3], [sflag:s2] =	dma.local @!p0 [hbm:s0], s1  }
0xb9: {  	s0 =	simm.s32 @!p0 $0x5  }
0xba: {  	_ =	swait.ge @!p0 [sflag:s0], s1  }
0xbb: {  	s1 =	ssub.s32 @!p0 $0x0, s1;
	[sflag:s0] =	ssyncset.done @!p0 $0x0  }
0xbc: {  	[sflag:s0] =	ssyncadd.s32 @!p0 s1  }
0xbd: {  	[bflag:$0x3] =	sbarrier.arrive $0xFFFF  }
0xbe: {  	_ =	shalt  }

</sc_bundles>
